<compile_context>
chip_gen: v7x
topology: tpu7x:2x2x1
jax: 0.10.2.dev20260603
libtpu: 0.0.44.dev20260713+nightly
codegen_flags: <defaults>
</compile_context>

<pallas_src>
import functools

import jax
import jax.numpy as jnp
from jax.experimental import pallas as pl

_C = 256
_K = 9
_DN = (((1,), (1,)), ((), ()))
_DN_NT = (((1,), (0,)), ((), ()))


def _split(x):
    hi = x.astype(jnp.bfloat16)
    lo = (x - hi.astype(jnp.float32)).astype(jnp.bfloat16)
    return hi, lo


def _prep_body(x_ref, hi_ref, lo_ref, p2_ref):
    x = x_ref[...]
    hi, lo = _split(x)
    hi_ref[...] = hi
    lo_ref[...] = lo
    x2 = x * x
    x2h = x2.astype(jnp.bfloat16)
    r1 = x2 - x2h.astype(jnp.float32)
    x2m = r1.astype(jnp.bfloat16)
    x2l = (r1 - x2m.astype(jnp.float32)).astype(jnp.bfloat16)
    ones = jnp.ones((1, x.shape[1]), jnp.bfloat16)
    p2_ref[...] = (
        jax.lax.dot_general(ones, x2h, _DN, preferred_element_type=jnp.float32)
        + jax.lax.dot_general(ones, x2m, _DN, preferred_element_type=jnp.float32)
        + jax.lax.dot_general(ones, x2l, _DN, preferred_element_type=jnp.float32)
    )


def _prep(x):
    n, c = x.shape
    bn = min(n, 4096)
    return pl.pallas_call(
        _prep_body,
        grid=(n // bn,),
        in_specs=[pl.BlockSpec((bn, c), lambda i: (i, 0))],
        out_specs=(
            pl.BlockSpec((bn, c), lambda i: (i, 0)),
            pl.BlockSpec((bn, c), lambda i: (i, 0)),
            pl.BlockSpec((1, bn), lambda i: (0, i)),
        ),
        out_shape=(
            jax.ShapeDtypeStruct((n, c), jnp.bfloat16),
            jax.ShapeDtypeStruct((n, c), jnp.bfloat16),
            jax.ShapeDtypeStruct((1, n), jnp.float32),
        ),
    )(x)


def _agg_body(lab_ref, hi_ref, lo_ref, p2_ref, out_ref, *, k, n):
    lab = lab_ref[...]
    lh = lab.astype(jnp.bfloat16)
    hi = hi_ref[...]
    lo = lo_ref[...]
    dot = jax.lax.dot_general(lh, hi, _DN, preferred_element_type=jnp.float32)
    l2 = jnp.sum(lab * lab, axis=1, keepdims=True)
    d2 = jnp.sqrt(jnp.maximum(l2 + p2_ref[...] - 2.0 * dot, 0.0))
    iota = jax.lax.broadcasted_iota(jnp.int32, d2.shape, 1).astype(jnp.float32)
    acc = jnp.full(lab.shape, -jnp.inf, jnp.float32)
    for _ in range(k):
        m = jnp.min(d2, axis=1, keepdims=True)
        idx = jnp.min(jnp.where(d2 == m, iota, jnp.float32(n)), axis=1, keepdims=True)
        oh = iota == idx
        ohb = oh.astype(jnp.bfloat16)
        g = jax.lax.dot_general(
            ohb, hi, _DN_NT, preferred_element_type=jnp.float32
        ) + jax.lax.dot_general(ohb, lo, _DN_NT, preferred_element_type=jnp.float32)
        acc = jnp.maximum(acc, g)
        d2 = jnp.where(oh, jnp.inf, d2)
    out_ref[...] = acc - lab


def _agg(labels, hi, lo, p2, k, block):
    l, c = labels.shape
    n = hi.shape[0]
    return pl.pallas_call(
        functools.partial(_agg_body, k=k, n=n),
        grid=(l // block,),
        in_specs=[
            pl.BlockSpec((block, c), lambda i: (i, 0)),
            pl.BlockSpec((n, c), lambda i: (0, 0)),
            pl.BlockSpec((n, c), lambda i: (0, 0)),
            pl.BlockSpec((1, n), lambda i: (0, 0)),
        ],
        out_specs=pl.BlockSpec((block, c), lambda i: (i, 0)),
        out_shape=jax.ShapeDtypeStruct((l, c), jnp.float32),
    )(labels, hi, lo, p2)


def _lin_ln_body(*refs, m):
    xs = [r[...] for r in refs[:m]]
    w = refs[m][...]
    b = refs[m + 1][...]
    g = refs[m + 2][...]
    beta = refs[m + 3][...]
    out_ref = refs[m + 4]
    cat = jnp.concatenate(xs, axis=1).astype(jnp.bfloat16)
    dot = jax.lax.dot_general(
        cat, w.astype(jnp.bfloat16), _DN, preferred_element_type=jnp.float32
    )
    y = xs[0] + (dot + b)
    mu = jnp.mean(y, axis=1, keepdims=True)
    var = jnp.mean((y - mu) ** 2, axis=1, keepdims=True)
    out_ref[...] = (y - mu) / jnp.sqrt(var + 1e-5) * g + beta


def _lin_ln(x, ctxs, w, b, g, beta):
    l, c = x.shape
    parts = [x] + list(ctxs)
    m = len(parts)
    return pl.pallas_call(
        functools.partial(_lin_ln_body, m=m),
        out_shape=jax.ShapeDtypeStruct((l, c), jnp.float32),
    )(*parts, w, b.reshape(1, c), g.reshape(1, c), beta.reshape(1, c))


def kernel(patch_emb, mood_emb, genre_emb, sub_emb,
           W_mood, b_mood, W_genre, b_genre, W_sub, b_sub,
           g_mood, beta_mood, g_genre, beta_genre, g_sub, beta_sub):
    k = _K
    p_hi, p_lo, p_p2 = _prep(patch_emb)

    ctx_m = _agg_jnp(mood_emb, patch_emb, k)
    mood2 = _lin_ln(mood_emb, [ctx_m], W_mood, b_mood, g_mood, beta_mood)

    m_hi, m_lo, m_p2 = _prep(mood2)
    ctx_gp = _agg_jnp(genre_emb, patch_emb, k)
    ctx_gm = _agg(genre_emb, m_hi, m_lo, m_p2, max(1, k // 2), block=128)
    genre2 = _lin_ln(genre_emb, [ctx_gp, ctx_gm], W_genre, b_genre, g_genre, beta_genre)

    g_hi, g_lo, g_p2 = _prep(genre2)
    ctx_sp = _agg_jnp(sub_emb, patch_emb, k)
    ctx_sm = _agg(sub_emb, m_hi, m_lo, m_p2, max(1, k // 3), block=128)
    ctx_sg = _agg(sub_emb, g_hi, g_lo, g_p2, max(1, k // 2), block=128)
    sub2 = _lin_ln(sub_emb, [ctx_sp, ctx_sm, ctx_sg], W_sub, b_sub, g_sub, beta_sub)

    return mood2, genre2, sub2


def _agg_jnp(labels, base, k):
    a2 = jnp.sum(labels * labels, axis=-1, keepdims=True)
    b2 = jnp.sum(base * base, axis=-1)
    d2 = a2 + b2[None, :] - 2.0 * (labels @ base.T)
    dists = jnp.sqrt(jnp.maximum(d2, 0.0))
    _, topk = jax.lax.top_k(-dists, k)
    neighbours = base[topk]
    return jnp.max(neighbours - labels[:, None, :], axis=1)

# --- scband reference (transcript-rebuilt; emitter-appended) ---
"""Pipeline reference for scband-hierarchical-plgblock-12429635355033 (READ-ONLY COPY).

The authoritative reference and input builder live on the scoring server;
editing this copy changes nothing except your own understanding.
"""

import jax, jax.numpy as jnp
import numpy as np

K_PLG = 9

def _cdist(a, b):
    a2 = jnp.sum(a * a, axis=-1, keepdims=True)
    b2 = jnp.sum(b * b, axis=-1)
    d2 = a2 + b2[None, :] - 2.0 * (a @ b.T)
    return jnp.sqrt(jnp.maximum(d2, 0.0))

def _label_to_patch_agg(label_emb, patch_emb, k):
    dists = _cdist(label_emb, patch_emb)
    _, topk = jax.lax.top_k(-dists, k)  # k smallest distances
    neighbours = patch_emb[topk]        # (S, k, C)
    diff = neighbours - label_emb[:, None, :]
    return jnp.max(diff, axis=1)

def _linear(x, W, b):
    return x @ W.T + b

def _layernorm(x, g, b, eps=1e-5):
    mu = jnp.mean(x, axis=-1, keepdims=True)
    var = jnp.mean((x - mu) ** 2, axis=-1, keepdims=True)
    return (x - mu) / jnp.sqrt(var + eps) * g + b

def setup_inputs(seed: int = 0) -> dict:
    key = jax.random.key(seed)
    ks = [jax.random.fold_in(key, i) for i in range(20)]
    C = 256
    patch_emb = jax.random.normal(ks[0], (16384, C), dtype=jnp.float32)
    mood_emb = jax.random.normal(ks[1], (32, C), dtype=jnp.float32)
    genre_emb = jax.random.normal(ks[2], (256, C), dtype=jnp.float32)
    sub_emb = jax.random.normal(ks[3], (1024, C), dtype=jnp.float32)
    def lin_init(k1, k2, fan_in, fan_out):
        s = 1.0 / np.sqrt(fan_in)
        W = jax.random.uniform(k1, (fan_out, fan_in), minval=-s, maxval=s, dtype=jnp.float32)
        b = jax.random.uniform(k2, (fan_out,), minval=-s, maxval=s, dtype=jnp.float32)
        return W, b
    W_mood, b_mood = lin_init(ks[4], ks[5], 2 * C, C)
    W_genre, b_genre = lin_init(ks[6], ks[7], 3 * C, C)
    W_sub, b_sub = lin_init(ks[8], ks[9], 4 * C, C)
    return {
        'patch_emb': patch_emb, 'mood_emb': mood_emb, 'genre_emb': genre_emb, 'sub_emb': sub_emb,
        'W_mood': W_mood, 'b_mood': b_mood,
        'W_genre': W_genre, 'b_genre': b_genre,
        'W_sub': W_sub, 'b_sub': b_sub,
        'g_mood': jnp.ones((C,), jnp.float32), 'beta_mood': jnp.zeros((C,), jnp.float32),
        'g_genre': jnp.ones((C,), jnp.float32), 'beta_genre': jnp.zeros((C,), jnp.float32),
        'g_sub': jnp.ones((C,), jnp.float32), 'beta_sub': jnp.zeros((C,), jnp.float32),
    }

def reference(patch_emb, mood_emb, genre_emb, sub_emb,
              W_mood, b_mood, W_genre, b_genre, W_sub, b_sub,
              g_mood, beta_mood, g_genre, beta_genre, g_sub, beta_sub):
    k = K_PLG
    ctx_m = _label_to_patch_agg(mood_emb, patch_emb, k)
    mood_emb = _layernorm(mood_emb + _linear(jnp.concatenate([mood_emb, ctx_m], axis=-1), W_mood, b_mood), g_mood, beta_mood)
    ctx_g_patch = _label_to_patch_agg(genre_emb, patch_emb, k)
    ctx_g_mood = _label_to_patch_agg(genre_emb, mood_emb, max(1, k // 2))
    genre_emb = _layernorm(genre_emb + _linear(jnp.concatenate([genre_emb, ctx_g_patch, ctx_g_mood], axis=-1), W_genre, b_genre), g_genre, beta_genre)
    ctx_s_patch = _label_to_patch_agg(sub_emb, patch_emb, k)
    ctx_s_mood = _label_to_patch_agg(sub_emb, mood_emb, max(1, k // 3))
    ctx_s_genre = _label_to_patch_agg(sub_emb, genre_emb, max(1, k // 2))
    sub_emb = _layernorm(sub_emb + _linear(jnp.concatenate([sub_emb, ctx_s_patch, ctx_s_mood, ctx_s_genre], axis=-1), W_sub, b_sub), g_sub, beta_sub)
    return (mood_emb, genre_emb, sub_emb)

if __name__ == "__main__":
    import jax
    _d = setup_inputs()
    print(jax.jit(kernel)(*tuple(_d.values())))

</pallas_src>

<mosaic_0001>
module attributes {stable_mosaic.version = 14 : i64} {
  func.func @_lin_ln_body(%arg0: memref<32x256xf32, #tpu.memory_space<vmem>>, %arg1: memref<32x256xf32, #tpu.memory_space<vmem>>, %arg2: memref<256x512xf32, #tpu.memory_space<vmem>>, %arg3: memref<1x256xf32, #tpu.memory_space<vmem>>, %arg4: memref<1x256xf32, #tpu.memory_space<vmem>>, %arg5: memref<1x256xf32, #tpu.memory_space<vmem>>, %arg6: memref<32x256xf32, #tpu.memory_space<vmem>>) attributes {dimension_semantics = [], scalar_prefetch = 0 : i64, scratch_operands = 0 : i64, tpu.core_type = #tpu.core_type<tc>} {
    %get3A = arith.constant 0 : index
    %get3A_0 = arith.constant 0 : index
    %get3A_1 = vector.load %arg0[%get3A, %get3A_0] : memref<32x256xf32, #tpu.memory_space<vmem>>, vector<32x256xf32>
    %get3A_2 = arith.constant 0 : index
    %get3A_3 = arith.constant 0 : index
    %get3A_4 = vector.load %arg1[%get3A_2, %get3A_3] : memref<32x256xf32, #tpu.memory_space<vmem>>, vector<32x256xf32>
    %get3A_5 = arith.constant 0 : index
    %get3A_6 = arith.constant 0 : index
    %get3A_7 = vector.load %arg2[%get3A_5, %get3A_6] : memref<256x512xf32, #tpu.memory_space<vmem>>, vector<256x512xf32>
    %get3A_8 = arith.constant 0 : index
    %get3A_9 = arith.constant 0 : index
    %get3A_10 = vector.load %arg3[%get3A_8, %get3A_9] : memref<1x256xf32, #tpu.memory_space<vmem>>, vector<1x256xf32>
    %get3A_11 = arith.constant 0 : index
    %get3A_12 = arith.constant 0 : index
    %get3A_13 = vector.load %arg4[%get3A_11, %get3A_12] : memref<1x256xf32, #tpu.memory_space<vmem>>, vector<1x256xf32>
    %get3A_14 = arith.constant 0 : index
    %get3A_15 = arith.constant 0 : index
    %get3A_16 = vector.load %arg5[%get3A_14, %get3A_15] : memref<1x256xf32, #tpu.memory_space<vmem>>, vector<1x256xf32>
    %concatenate3A = tpu.concatenate %get3A_1, %get3A_4 in 1 : vector<32x256xf32>, vector<32x256xf32> -> vector<32x512xf32>
    %convert_element_type3A = arith.truncf %concatenate3A : vector<32x512xf32> to vector<32x512xbf16>
    %convert_element_type3A_17 = arith.truncf %get3A_7 : vector<256x512xf32> to vector<256x512xbf16>
    %dot_general3A = arith.constant dense<0.000000e+00> : vector<32x256xf32>
    %dot_general3A_18 = tpu.matmul %convert_element_type3A, %convert_element_type3A_17, %dot_general3A {dimension_numbers = #tpu.dot_dimension_numbers<[1], [1], [0], [0], [0, 0, 1, 0], [], []>, transpose_lhs_hint = false} : vector<32x512xbf16>, vector<256x512xbf16>, vector<32x256xf32> -> vector<32x256xf32>
    %add3A = vector.broadcast %get3A_10 : vector<1x256xf32> to vector<32x256xf32>
    %add3A_19 = arith.addf %dot_general3A_18, %add3A : vector<32x256xf32>
    %add3A_20 = arith.addf %get3A_1, %add3A_19 : vector<32x256xf32>
    %reduce_sum3A = arith.constant dense<0.000000e+00> : vector<32xf32>
    %reduce_sum3A_21 = vector.multi_reduction <add>, %add3A_20, %reduce_sum3A [1] : vector<32x256xf32> to vector<32xf32>
    %broadcast_in_dim3A = vector.shape_cast %reduce_sum3A_21 : vector<32xf32> to vector<32x1xf32>
    %div3A = arith.constant 2.560000e+02 : f32
    %div3A_22 = vector.broadcast %div3A : f32 to vector<32x1xf32>
    %div3A_23 = arith.divf %broadcast_in_dim3A, %div3A_22 : vector<32x1xf32>
    %sub3A = vector.broadcast %div3A_23 : vector<32x1xf32> to vector<32x256xf32>
    %sub3A_24 = arith.subf %add3A_20, %sub3A : vector<32x256xf32>
    %integer_pow3A = arith.mulf %sub3A_24, %sub3A_24 : vector<32x256xf32>
    %reduce_sum3A_25 = arith.constant dense<0.000000e+00> : vector<32xf32>
    %reduce_sum3A_26 = vector.multi_reduction <add>, %integer_pow3A, %reduce_sum3A_25 [1] : vector<32x256xf32> to vector<32xf32>
    %broadcast_in_dim3A_27 = vector.shape_cast %reduce_sum3A_26 : vector<32xf32> to vector<32x1xf32>
    %div3A_28 = arith.constant 2.560000e+02 : f32
    %div3A_29 = vector.broadcast %div3A_28 : f32 to vector<32x1xf32>
    %div3A_30 = arith.divf %broadcast_in_dim3A_27, %div3A_29 : vector<32x1xf32>
    %sub3A_31 = vector.broadcast %div3A_23 : vector<32x1xf32> to vector<32x256xf32>
    %sub3A_32 = arith.subf %add3A_20, %sub3A_31 : vector<32x256xf32>
    %add3A_33 = arith.constant 9.99999974E-6 : f32
    %add3A_34 = vector.broadcast %add3A_33 : f32 to vector<32x1xf32>
    %add3A_35 = arith.addf %div3A_30, %add3A_34 : vector<32x1xf32>
    %sqrt3A = math.sqrt %add3A_35 : vector<32x1xf32>
    %div3A_36 = vector.broadcast %sqrt3A : vector<32x1xf32> to vector<32x256xf32>
    %div3A_37 = arith.divf %sub3A_32, %div3A_36 : vector<32x256xf32>
    %mul3A = vector.broadcast %get3A_13 : vector<1x256xf32> to vector<32x256xf32>
    %mul3A_38 = arith.mulf %div3A_37, %mul3A : vector<32x256xf32>
    %add3A_39 = vector.broadcast %get3A_16 : vector<1x256xf32> to vector<32x256xf32>
    %add3A_40 = arith.addf %mul3A_38, %add3A_39 : vector<32x256xf32>
    %swap3A = arith.constant 0 : index
    %swap3A_41 = arith.constant 0 : index
    %swap3A_42 = vector.load %arg6[%swap3A, %swap3A_41] : memref<32x256xf32, #tpu.memory_space<vmem>>, vector<32x256xf32>
    tpu.vector_store %arg6[%swap3A, %swap3A_41], %add3A_40 {strides = array<i32>} : memref<32x256xf32, #tpu.memory_space<vmem>>, vector<32x256xf32>,
    return
  }
}

module attributes {stable_mosaic.version = 14 : i64} {
  func.func @_prep_body(%arg0: i32, %arg1: memref<32x256xf32, #tpu.memory_space<vmem>>, %arg2: memref<32x256xbf16, #tpu.memory_space<vmem>>, %arg3: memref<32x256xbf16, #tpu.memory_space<vmem>>, %arg4: memref<1x32xf32, #tpu.memory_space<vmem>>) attributes {dimension_semantics = [#tpu.dimension_semantics<arbitrary>], iteration_bounds = array<i64: 1>, scalar_prefetch = 0 : i64, scratch_operands = 0 : i64, tpu.core_type = #tpu.core_type<tc>, window_params = [{transform_indices = @transform_0, window_bounds = array<i64: 32, 256>}, {transform_indices = @transform_1, window_bounds = array<i64: 32, 256>}, {transform_indices = @transform_2, window_bounds = array<i64: 32, 256>}, {transform_indices = @transform_3, window_bounds = array<i64: 1, 32>}]} {
    %get3A = arith.constant 0 : index
    %get3A_0 = arith.constant 0 : index
    %get3A_1 = vector.load %arg1[%get3A, %get3A_0] : memref<32x256xf32, #tpu.memory_space<vmem>>, vector<32x256xf32>
    %convert_element_type3A = arith.truncf %get3A_1 : vector<32x256xf32> to vector<32x256xbf16>
    %convert_element_type3A_2 = arith.extf %convert_element_type3A : vector<32x256xbf16> to vector<32x256xf32>
    %sub3A = arith.subf %get3A_1, %convert_element_type3A_2 : vector<32x256xf32>
    %convert_element_type3A_3 = arith.truncf %sub3A : vector<32x256xf32> to vector<32x256xbf16>
    %swap3A = arith.constant 0 : index
    %swap3A_4 = arith.constant 0 : index
    %swap3A_5 = vector.load %arg2[%swap3A, %swap3A_4] : memref<32x256xbf16, #tpu.memory_space<vmem>>, vector<32x256xbf16>
    tpu.vector_store %arg2[%swap3A, %swap3A_4], %convert_element_type3A {strides = array<i32>} : memref<32x256xbf16, #tpu.memory_space<vmem>>, vector<32x256xbf16>,
    %swap3A_6 = arith.constant 0 : index
    %swap3A_7 = arith.constant 0 : index
    %swap3A_8 = vector.load %arg3[%swap3A_6, %swap3A_7] : memref<32x256xbf16, #tpu.memory_space<vmem>>, vector<32x256xbf16>
    tpu.vector_store %arg3[%swap3A_6, %swap3A_7], %convert_element_type3A_3 {strides = array<i32>} : memref<32x256xbf16, #tpu.memory_space<vmem>>, vector<32x256xbf16>,
    %mul3A = arith.mulf %get3A_1, %get3A_1 : vector<32x256xf32>
    %convert_element_type3A_9 = arith.truncf %mul3A : vector<32x256xf32> to vector<32x256xbf16>
    %convert_element_type3A_10 = arith.extf %convert_element_type3A_9 : vector<32x256xbf16> to vector<32x256xf32>
    %sub3A_11 = arith.subf %mul3A, %convert_element_type3A_10 : vector<32x256xf32>
    %convert_element_type3A_12 = arith.truncf %sub3A_11 : vector<32x256xf32> to vector<32x256xbf16>
    %convert_element_type3A_13 = arith.extf %convert_element_type3A_12 : vector<32x256xbf16> to vector<32x256xf32>
    %sub3A_14 = arith.subf %sub3A_11, %convert_element_type3A_13 : vector<32x256xf32>
    %convert_element_type3A_15 = arith.truncf %sub3A_14 : vector<32x256xf32> to vector<32x256xbf16>
    %broadcast_in_dim3A = arith.constant 1.000000e+00 : bf16
    %broadcast_in_dim3A_16 = vector.broadcast %broadcast_in_dim3A : bf16 to vector<1x256xbf16>
    %dot_general3A = arith.constant dense<0.000000e+00> : vector<1x32xf32>
    %dot_general3A_17 = tpu.matmul %broadcast_in_dim3A_16, %convert_element_type3A_9, %dot_general3A {dimension_numbers = #tpu.dot_dimension_numbers<[1], [1], [0], [0], [0, 0, 1, 0], [], []>, transpose_lhs_hint = false} : vector<1x256xbf16>, vector<32x256xbf16>, vector<1x32xf32> -> vector<1x32xf32>
    %dot_general3A_18 = arith.constant dense<0.000000e+00> : vector<1x32xf32>
    %dot_general3A_19 = tpu.matmul %broadcast_in_dim3A_16, %convert_element_type3A_12, %dot_general3A_18 {dimension_numbers = #tpu.dot_dimension_numbers<[1], [1], [0], [0], [0, 0, 1, 0], [], []>, transpose_lhs_hint = false} : vector<1x256xbf16>, vector<32x256xbf16>, vector<1x32xf32> -> vector<1x32xf32>
    %add3A = arith.addf %dot_general3A_17, %dot_general3A_19 : vector<1x32xf32>
    %dot_general3A_20 = arith.constant dense<0.000000e+00> : vector<1x32xf32>
    %dot_general3A_21 = tpu.matmul %broadcast_in_dim3A_16, %convert_element_type3A_15, %dot_general3A_20 {dimension_numbers = #tpu.dot_dimension_numbers<[1], [1], [0], [0], [0, 0, 1, 0], [], []>, transpose_lhs_hint = false} : vector<1x256xbf16>, vector<32x256xbf16>, vector<1x32xf32> -> vector<1x32xf32>
    %add3A_22 = arith.addf %add3A, %dot_general3A_21 : vector<1x32xf32>
    %swap3A_23 = arith.constant 0 : index
    %swap3A_24 = arith.constant 0 : index
    %swap3A_25 = vector.load %arg4[%swap3A_23, %swap3A_24] : memref<1x32xf32, #tpu.memory_space<vmem>>, vector<1x32xf32>
    tpu.vector_store %arg4[%swap3A_23, %swap3A_24], %add3A_22 {strides = array<i32>} : memref<1x32xf32, #tpu.memory_space<vmem>>, vector<1x32xf32>,
    return
  }
  func.func @transform_0(%arg0: i32) -> (i32, i32) {
    %c0_i32 = arith.constant 0 : i32
    %c0_i32_0 = arith.constant 0 : i32
    return %arg0, %c0_i32 : i32, i32
  }
  func.func @transform_1(%arg0: i32) -> (i32, i32) {
    %c0_i32 = arith.constant 0 : i32
    %c0_i32_0 = arith.constant 0 : i32
    return %arg0, %c0_i32 : i32, i32
  }
  func.func @transform_2(%arg0: i32) -> (i32, i32) {
    %c0_i32 = arith.constant 0 : i32
    %c0_i32_0 = arith.constant 0 : i32
    return %arg0, %c0_i32 : i32, i32
  }
  func.func @transform_3(%arg0: i32) -> (i32, i32) {
    %c0_i32 = arith.constant 0 : i32
    %c0_i32_0 = arith.constant 0 : i32
    return %c0_i32, %arg0 : i32, i32
  }
}

module attributes {stable_mosaic.version = 14 : i64} {
  func.func @_agg_body(%arg0: i32, %arg1: memref<128x256xf32, #tpu.memory_space<vmem>>, %arg2: memref<32x256xbf16, #tpu.memory_space<vmem>>, %arg3: memref<32x256xbf16, #tpu.memory_space<vmem>>, %arg4: memref<1x32xf32, #tpu.memory_space<vmem>>, %arg5: memref<128x256xf32, #tpu.memory_space<vmem>>) attributes {dimension_semantics = [#tpu.dimension_semantics<arbitrary>], iteration_bounds = array<i64: 2>, scalar_prefetch = 0 : i64, scratch_operands = 0 : i64, tpu.core_type = #tpu.core_type<tc>, window_params = [{transform_indices = @transform_0, window_bounds = array<i64: 128, 256>}, {pipeline_mode = #tpu.pipeline_mode<synchronous>, transform_indices = @transform_1, window_bounds = array<i64: 32, 256>}, {pipeline_mode = #tpu.pipeline_mode<synchronous>, transform_indices = @transform_2, window_bounds = array<i64: 32, 256>}, {pipeline_mode = #tpu.pipeline_mode<synchronous>, transform_indices = @transform_3, window_bounds = array<i64: 1, 32>}, {transform_indices = @transform_4, window_bounds = array<i64: 128, 256>}]} {
    %get3A = arith.constant 0 : index
    %get3A_0 = arith.constant 0 : index
    %get3A_1 = vector.load %arg1[%get3A, %get3A_0] : memref<128x256xf32, #tpu.memory_space<vmem>>, vector<128x256xf32>
    %convert_element_type3A = arith.truncf %get3A_1 : vector<128x256xf32> to vector<128x256xbf16>
    %get3A_2 = arith.constant 0 : index
    %get3A_3 = arith.constant 0 : index
    %get3A_4 = vector.load %arg2[%get3A_2, %get3A_3] : memref<32x256xbf16, #tpu.memory_space<vmem>>, vector<32x256xbf16>
    %get3A_5 = arith.constant 0 : index
    %get3A_6 = arith.constant 0 : index
    %get3A_7 = vector.load %arg3[%get3A_5, %get3A_6] : memref<32x256xbf16, #tpu.memory_space<vmem>>, vector<32x256xbf16>
    %dot_general3A = arith.constant dense<0.000000e+00> : vector<128x32xf32>
    %dot_general3A_8 = tpu.matmul %convert_element_type3A, %get3A_4, %dot_general3A {dimension_numbers = #tpu.dot_dimension_numbers<[1], [1], [0], [0], [0, 0, 1, 0], [], []>, transpose_lhs_hint = false} : vector<128x256xbf16>, vector<32x256xbf16>, vector<128x32xf32> -> vector<128x32xf32>
    %mul3A = arith.mulf %get3A_1, %get3A_1 : vector<128x256xf32>
    %reduce_sum3A = arith.constant dense<0.000000e+00> : vector<128xf32>
    %reduce_sum3A_9 = vector.multi_reduction <add>, %mul3A, %reduce_sum3A [1] : vector<128x256xf32> to vector<128xf32>
    %broadcast_in_dim3A = vector.shape_cast %reduce_sum3A_9 : vector<128xf32> to vector<128x1xf32>
    %get3A_10 = arith.constant 0 : index
    %get3A_11 = arith.constant 0 : index
    %get3A_12 = vector.load %arg4[%get3A_10, %get3A_11] : memref<1x32xf32, #tpu.memory_space<vmem>>, vector<1x32xf32>
    %add3A = vector.broadcast %broadcast_in_dim3A : vector<128x1xf32> to vector<128x32xf32>
    %add3A_13 = vector.broadcast %get3A_12 : vector<1x32xf32> to vector<128x32xf32>
    %add3A_14 = arith.addf %add3A, %add3A_13 : vector<128x32xf32>
    %mul3A_15 = arith.constant 2.000000e+00 : f32
    %mul3A_16 = vector.broadcast %mul3A_15 : f32 to vector<128x32xf32>
    %mul3A_17 = arith.mulf %mul3A_16, %dot_general3A_8 : vector<128x32xf32>
    %sub3A = arith.subf %add3A_14, %mul3A_17 : vector<128x32xf32>
    %max3A = arith.constant 0.000000e+00 : f32
    %max3A_18 = vector.broadcast %max3A : f32 to vector<128x32xf32>
    %max3A_19 = arith.maximumf %sub3A, %max3A_18 : vector<128x32xf32>
    %sqrt3A = math.sqrt %max3A_19 : vector<128x32xf32>
    %iota3A = tpu.iota {dimensions = array<i32: 1>} : vector<128x32xi32>
    %convert_element_type3A_20 = arith.sitofp %iota3A : vector<128x32xi32> to vector<128x32xf32>
    %broadcast_in_dim3A_21 = arith.constant 0xFF800000 : f32
    %broadcast_in_dim3A_22 = vector.broadcast %broadcast_in_dim3A_21 : f32 to vector<128x256xf32>
    %reduce_min3A = arith.constant dense<0x7F800000> : vector<128xf32>
    %reduce_min3A_23 = vector.multi_reduction <minimumf>, %sqrt3A, %reduce_min3A [1] : vector<128x32xf32> to vector<128xf32>
    %broadcast_in_dim3A_24 = vector.shape_cast %reduce_min3A_23 : vector<128xf32> to vector<128x1xf32>
    %eq3A = vector.broadcast %broadcast_in_dim3A_24 : vector<128x1xf32> to vector<128x32xf32>
    %eq3A_25 = arith.cmpf oeq, %sqrt3A, %eq3A : vector<128x32xf32>
    %jit3A = arith.constant 3.200000e+01 : f32
    %broadcast_in_dim3A_26 = vector.broadcast %jit3A : f32 to vector<128x32xf32>
    %select_n3A = arith.select %eq3A_25, %convert_element_type3A_20, %broadcast_in_dim3A_26 : vector<128x32xi1>, vector<128x32xf32>
    %reduce_min3A_27 = arith.constant dense<0x7F800000> : vector<128xf32>
    %reduce_min3A_28 = vector.multi_reduction <minimumf>, %select_n3A, %reduce_min3A_27 [1] : vector<128x32xf32> to vector<128xf32>
    %broadcast_in_dim3A_29 = vector.shape_cast %reduce_min3A_28 : vector<128xf32> to vector<128x1xf32>
    %eq3A_30 = vector.broadcast %broadcast_in_dim3A_29 : vector<128x1xf32> to vector<128x32xf32>
    %eq3A_31 = arith.cmpf oeq, %convert_element_type3A_20, %eq3A_30 : vector<128x32xf32>
    %convert_element_type3A_32 = arith.extui %eq3A_31 : vector<128x32xi1> to vector<128x32xi32>
    %convert_element_type3A_33 = arith.sitofp %convert_element_type3A_32 : vector<128x32xi32> to vector<128x32xf32>
    %convert_element_type3A_34 = arith.truncf %convert_element_type3A_33 : vector<128x32xf32> to vector<128x32xbf16>
    %dot_general3A_35 = arith.constant dense<0.000000e+00> : vector<128x256xf32>
    %dot_general3A_36 = tpu.matmul %convert_element_type3A_34, %get3A_4, %dot_general3A_35 {dimension_numbers = #tpu.dot_dimension_numbers<[1], [0], [0], [1], [0, 0, 1, 1], [], []>, transpose_lhs_hint = false} : vector<128x32xbf16>, vector<32x256xbf16>, vector<128x256xf32> -> vector<128x256xf32>
    %dot_general3A_37 = arith.constant dense<0.000000e+00> : vector<128x256xf32>
    %dot_general3A_38 = tpu.matmul %convert_element_type3A_34, %get3A_7, %dot_general3A_37 {dimension_numbers = #tpu.dot_dimension_numbers<[1], [0], [0], [1], [0, 0, 1, 1], [], []>, transpose_lhs_hint = false} : vector<128x32xbf16>, vector<32x256xbf16>, vector<128x256xf32> -> vector<128x256xf32>
    %add3A_39 = arith.addf %dot_general3A_36, %dot_general3A_38 : vector<128x256xf32>
    %max3A_40 = arith.maximumf %broadcast_in_dim3A_22, %add3A_39 : vector<128x256xf32>
    %jit3A_41 = arith.constant 0x7F800000 : f32
    %broadcast_in_dim3A_42 = vector.broadcast %jit3A_41 : f32 to vector<128x32xf32>
    %select_n3A_43 = arith.select %eq3A_31, %broadcast_in_dim3A_42, %sqrt3A : vector<128x32xi1>, vector<128x32xf32>
    %reduce_min3A_44 = arith.constant dense<0x7F800000> : vector<128xf32>
    %reduce_min3A_45 = vector.multi_reduction <minimumf>, %select_n3A_43, %reduce_min3A_44 [1] : vector<128x32xf32> to vector<128xf32>
    %broadcast_in_dim3A_46 = vector.shape_cast %reduce_min3A_45 : vector<128xf32> to vector<128x1xf32>
    %eq3A_47 = vector.broadcast %broadcast_in_dim3A_46 : vector<128x1xf32> to vector<128x32xf32>
    %eq3A_48 = arith.cmpf oeq, %select_n3A_43, %eq3A_47 : vector<128x32xf32>
    %jit3A_49 = arith.constant 3.200000e+01 : f32
    %broadcast_in_dim3A_50 = vector.broadcast %jit3A_49 : f32 to vector<128x32xf32>
    %select_n3A_51 = arith.select %eq3A_48, %convert_element_type3A_20, %broadcast_in_dim3A_50 : vector<128x32xi1>, vector<128x32xf32>
    %reduce_min3A_52 = arith.constant dense<0x7F800000> : vector<128xf32>
    %reduce_min3A_53 = vector.multi_reduction <minimumf>, %select_n3A_51, %reduce_min3A_52 [1] : vector<128x32xf32> to vector<128xf32>
    %broadcast_in_dim3A_54 = vector.shape_cast %reduce_min3A_53 : vector<128xf32> to vector<128x1xf32>
    %eq3A_55 = vector.broadcast %broadcast_in_dim3A_54 : vector<128x1xf32> to vector<128x32xf32>
    %eq3A_56 = arith.cmpf oeq, %convert_element_type3A_20, %eq3A_55 : vector<128x32xf32>
    %convert_element_type3A_57 = arith.extui %eq3A_56 : vector<128x32xi1> to vector<128x32xi32>
    %convert_element_type3A_58 = arith.sitofp %convert_element_type3A_57 : vector<128x32xi32> to vector<128x32xf32>
    %convert_element_type3A_59 = arith.truncf %convert_element_type3A_58 : vector<128x32xf32> to vector<128x32xbf16>
    %dot_general3A_60 = arith.constant dense<0.000000e+00> : vector<128x256xf32>
    %dot_general3A_61 = tpu.matmul %convert_element_type3A_59, %get3A_4, %dot_general3A_60 {dimension_numbers = #tpu.dot_dimension_numbers<[1], [0], [0], [1], [0, 0, 1, 1], [], []>, transpose_lhs_hint = false} : vector<128x32xbf16>, vector<32x256xbf16>, vector<128x256xf32> -> vector<128x256xf32>
    %dot_general3A_62 = arith.constant dense<0.000000e+00> : vector<128x256xf32>
    %dot_general3A_63 = tpu.matmul %convert_element_type3A_59, %get3A_7, %dot_general3A_62 {dimension_numbers = #tpu.dot_dimension_numbers<[1], [0], [0], [1], [0, 0, 1, 1], [], []>, transpose_lhs_hint = false} : vector<128x32xbf16>, vector<32x256xbf16>, vector<128x256xf32> -> vector<128x256xf32>
    %add3A_64 = arith.addf %dot_general3A_61, %dot_general3A_63 : vector<128x256xf32>
    %max3A_65 = arith.maximumf %max3A_40, %add3A_64 : vector<128x256xf32>
    %jit3A_66 = arith.constant 0x7F800000 : f32
    %broadcast_in_dim3A_67 = vector.broadcast %jit3A_66 : f32 to vector<128x32xf32>
    %select_n3A_68 = arith.select %eq3A_56, %broadcast_in_dim3A_67, %select_n3A_43 : vector<128x32xi1>, vector<128x32xf32>
    %reduce_min3A_69 = arith.constant dense<0x7F800000> : vector<128xf32>
    %reduce_min3A_70 = vector.multi_reduction <minimumf>, %select_n3A_68, %reduce_min3A_69 [1] : vector<128x32xf32> to vector<128xf32>
    %broadcast_in_dim3A_71 = vector.shape_cast %reduce_min3A_70 : vector<128xf32> to vector<128x1xf32>
    %eq3A_72 = vector.broadcast %broadcast_in_dim3A_71 : vector<128x1xf32> to vector<128x32xf32>
    %eq3A_73 = arith.cmpf oeq, %select_n3A_68, %eq3A_72 : vector<128x32xf32>
    %jit3A_74 = arith.constant 3.200000e+01 : f32
    %broadcast_in_dim3A_75 = vector.broadcast %jit3A_74 : f32 to vector<128x32xf32>
    %select_n3A_76 = arith.select %eq3A_73, %convert_element_type3A_20, %broadcast_in_dim3A_75 : vector<128x32xi1>, vector<128x32xf32>
    %reduce_min3A_77 = arith.constant dense<0x7F800000> : vector<128xf32>
    %reduce_min3A_78 = vector.multi_reduction <minimumf>, %select_n3A_76, %reduce_min3A_77 [1] : vector<128x32xf32> to vector<128xf32>
    %broadcast_in_dim3A_79 = vector.shape_cast %reduce_min3A_78 : vector<128xf32> to vector<128x1xf32>
    %eq3A_80 = vector.broadcast %broadcast_in_dim3A_79 : vector<128x1xf32> to vector<128x32xf32>
    %eq3A_81 = arith.cmpf oeq, %convert_element_type3A_20, %eq3A_80 : vector<128x32xf32>
    %convert_element_type3A_82 = arith.extui %eq3A_81 : vector<128x32xi1> to vector<128x32xi32>
    %convert_element_type3A_83 = arith.sitofp %convert_element_type3A_82 : vector<128x32xi32> to vector<128x32xf32>
    %convert_element_type3A_84 = arith.truncf %convert_element_type3A_83 : vector<128x32xf32> to vector<128x32xbf16>
    %dot_general3A_85 = arith.constant dense<0.000000e+00> : vector<128x256xf32>
    %dot_general3A_86 = tpu.matmul %convert_element_type3A_84, %get3A_4, %dot_general3A_85 {dimension_numbers = #tpu.dot_dimension_numbers<[1], [0], [0], [1], [0, 0, 1, 1], [], []>, transpose_lhs_hint = false} : vector<128x32xbf16>, vector<32x256xbf16>, vector<128x256xf32> -> vector<128x256xf32>
    %dot_general3A_87 = arith.constant dense<0.000000e+00> : vector<128x256xf32>
    %dot_general3A_88 = tpu.matmul %convert_element_type3A_84, %get3A_7, %dot_general3A_87 {dimension_numbers = #tpu.dot_dimension_numbers<[1], [0], [0], [1], [0, 0, 1, 1], [], []>, transpose_lhs_hint = false} : vector<128x32xbf16>, vector<32x256xbf16>, vector<128x256xf32> -> vector<128x256xf32>
    %add3A_89 = arith.addf %dot_general3A_86, %dot_general3A_88 : vector<128x256xf32>
    %max3A_90 = arith.maximumf %max3A_65, %add3A_89 : vector<128x256xf32>
    %jit3A_91 = arith.constant 0x7F800000 : f32
    %broadcast_in_dim3A_92 = vector.broadcast %jit3A_91 : f32 to vector<128x32xf32>
    %select_n3A_93 = arith.select %eq3A_81, %broadcast_in_dim3A_92, %select_n3A_68 : vector<128x32xi1>, vector<128x32xf32>
    %reduce_min3A_94 = arith.constant dense<0x7F800000> : vector<128xf32>
    %reduce_min3A_95 = vector.multi_reduction <minimumf>, %select_n3A_93, %reduce_min3A_94 [1] : vector<128x32xf32> to vector<128xf32>
    %broadcast_in_dim3A_96 = vector.shape_cast %reduce_min3A_95 : vector<128xf32> to vector<128x1xf32>
    %eq3A_97 = vector.broadcast %broadcast_in_dim3A_96 : vector<128x1xf32> to vector<128x32xf32>
    %eq3A_98 = arith.cmpf oeq, %select_n3A_93, %eq3A_97 : vector<128x32xf32>
    %jit3A_99 = arith.constant 3.200000e+01 : f32
    %broadcast_in_dim3A_100 = vector.broadcast %jit3A_99 : f32 to vector<128x32xf32>
    %select_n3A_101 = arith.select %eq3A_98, %convert_element_type3A_20, %broadcast_in_dim3A_100 : vector<128x32xi1>, vector<128x32xf32>
    %reduce_min3A_102 = arith.constant dense<0x7F800000> : vector<128xf32>
    %reduce_min3A_103 = vector.multi_reduction <minimumf>, %select_n3A_101, %reduce_min3A_102 [1] : vector<128x32xf32> to vector<128xf32>
    %broadcast_in_dim3A_104 = vector.shape_cast %reduce_min3A_103 : vector<128xf32> to vector<128x1xf32>
    %eq3A_105 = vector.broadcast %broadcast_in_dim3A_104 : vector<128x1xf32> to vector<128x32xf32>
    %eq3A_106 = arith.cmpf oeq, %convert_element_type3A_20, %eq3A_105 : vector<128x32xf32>
    %convert_element_type3A_107 = arith.extui %eq3A_106 : vector<128x32xi1> to vector<128x32xi32>
    %convert_element_type3A_108 = arith.sitofp %convert_element_type3A_107 : vector<128x32xi32> to vector<128x32xf32>
    %convert_element_type3A_109 = arith.truncf %convert_element_type3A_108 : vector<128x32xf32> to vector<128x32xbf16>
    %dot_general3A_110 = arith.constant dense<0.000000e+00> : vector<128x256xf32>
    %dot_general3A_111 = tpu.matmul %convert_element_type3A_109, %get3A_4, %dot_general3A_110 {dimension_numbers = #tpu.dot_dimension_numbers<[1], [0], [0], [1], [0, 0, 1, 1], [], []>, transpose_lhs_hint = false} : vector<128x32xbf16>, vector<32x256xbf16>, vector<128x256xf32> -> vector<128x256xf32>
    %dot_general3A_112 = arith.constant dense<0.000000e+00> : vector<128x256xf32>
    %dot_general3A_113 = tpu.matmul %convert_element_type3A_109, %get3A_7, %dot_general3A_112 {dimension_numbers = #tpu.dot_dimension_numbers<[1], [0], [0], [1], [0, 0, 1, 1], [], []>, transpose_lhs_hint = false} : vector<128x32xbf16>, vector<32x256xbf16>, vector<128x256xf32> -> vector<128x256xf32>
    %add3A_114 = arith.addf %dot_general3A_111, %dot_general3A_113 : vector<128x256xf32>
    %max3A_115 = arith.maximumf %max3A_90, %add3A_114 : vector<128x256xf32>
    %sub3A_116 = arith.subf %max3A_115, %get3A_1 : vector<128x256xf32>
    %swap3A = arith.constant 0 : index
    %swap3A_117 = arith.constant 0 : index
    %swap3A_118 = vector.load %arg5[%swap3A, %swap3A_117] : memref<128x256xf32, #tpu.memory_space<vmem>>, vector<128x256xf32>
    tpu.vector_store %arg5[%swap3A, %swap3A_117], %sub3A_116 {strides = array<i32>} : memref<128x256xf32, #tpu.memory_space<vmem>>, vector<128x256xf32>,
    return
  }
  func.func @transform_0(%arg0: i32) -> (i32, i32) {
    %c0_i32 = arith.constant 0 : i32
    %c0_i32_0 = arith.constant 0 : i32
    return %arg0, %c0_i32 : i32, i32
  }
  func.func @transform_1(%arg0: i32) -> (i32, i32) {
    %c0_i32 = arith.constant 0 : i32
    %c0_i32_0 = arith.constant 0 : i32
    %c0_i32_1 = arith.constant 0 : i32
    return %c0_i32, %c0_i32_0 : i32, i32
  }
  func.func @transform_2(%arg0: i32) -> (i32, i32) {
    %c0_i32 = arith.constant 0 : i32
    %c0_i32_0 = arith.constant 0 : i32
    %c0_i32_1 = arith.constant 0 : i32
    return %c0_i32, %c0_i32_0 : i32, i32
  }
  func.func @transform_3(%arg0: i32) -> (i32, i32) {
    %c0_i32 = arith.constant 0 : i32
    %c0_i32_0 = arith.constant 0 : i32
    %c0_i32_1 = arith.constant 0 : i32
    return %c0_i32, %c0_i32_0 : i32, i32
  }
  func.func @transform_4(%arg0: i32) -> (i32, i32) {
    %c0_i32 = arith.constant 0 : i32
    %c0_i32_0 = arith.constant 0 : i32
    return %arg0, %c0_i32 : i32, i32
  }
}

module attributes {stable_mosaic.version = 14 : i64} {
  func.func @_agg_body(%arg0: i32, %arg1: memref<128x256xf32, #tpu.memory_space<vmem>>, %arg2: memref<32x256xbf16, #tpu.memory_space<vmem>>, %arg3: memref<32x256xbf16, #tpu.memory_space<vmem>>, %arg4: memref<1x32xf32, #tpu.memory_space<vmem>>, %arg5: memref<128x256xf32, #tpu.memory_space<vmem>>) attributes {dimension_semantics = [#tpu.dimension_semantics<arbitrary>], iteration_bounds = array<i64: 8>, scalar_prefetch = 0 : i64, scratch_operands = 0 : i64, tpu.core_type = #tpu.core_type<tc>, window_params = [{transform_indices = @transform_0, window_bounds = array<i64: 128, 256>}, {pipeline_mode = #tpu.pipeline_mode<synchronous>, transform_indices = @transform_1, window_bounds = array<i64: 32, 256>}, {pipeline_mode = #tpu.pipeline_mode<synchronous>, transform_indices = @transform_2, window_bounds = array<i64: 32, 256>}, {pipeline_mode = #tpu.pipeline_mode<synchronous>, transform_indices = @transform_3, window_bounds = array<i64: 1, 32>}, {transform_indices = @transform_4, window_bounds = array<i64: 128, 256>}]} {
    %get3A = arith.constant 0 : index
    %get3A_0 = arith.constant 0 : index
    %get3A_1 = vector.load %arg1[%get3A, %get3A_0] : memref<128x256xf32, #tpu.memory_space<vmem>>, vector<128x256xf32>
    %convert_element_type3A = arith.truncf %get3A_1 : vector<128x256xf32> to vector<128x256xbf16>
    %get3A_2 = arith.constant 0 : index
    %get3A_3 = arith.constant 0 : index
    %get3A_4 = vector.load %arg2[%get3A_2, %get3A_3] : memref<32x256xbf16, #tpu.memory_space<vmem>>, vector<32x256xbf16>
    %get3A_5 = arith.constant 0 : index
    %get3A_6 = arith.constant 0 : index
    %get3A_7 = vector.load %arg3[%get3A_5, %get3A_6] : memref<32x256xbf16, #tpu.memory_space<vmem>>, vector<32x256xbf16>
    %dot_general3A = arith.constant dense<0.000000e+00> : vector<128x32xf32>
    %dot_general3A_8 = tpu.matmul %convert_element_type3A, %get3A_4, %dot_general3A {dimension_numbers = #tpu.dot_dimension_numbers<[1], [1], [0], [0], [0, 0, 1, 0], [], []>, transpose_lhs_hint = false} : vector<128x256xbf16>, vector<32x256xbf16>, vector<128x32xf32> -> vector<128x32xf32>
    %mul3A = arith.mulf %get3A_1, %get3A_1 : vector<128x256xf32>
    %reduce_sum3A = arith.constant dense<0.000000e+00> : vector<128xf32>
    %reduce_sum3A_9 = vector.multi_reduction <add>, %mul3A, %reduce_sum3A [1] : vector<128x256xf32> to vector<128xf32>
    %broadcast_in_dim3A = vector.shape_cast %reduce_sum3A_9 : vector<128xf32> to vector<128x1xf32>
    %get3A_10 = arith.constant 0 : index
    %get3A_11 = arith.constant 0 : index
    %get3A_12 = vector.load %arg4[%get3A_10, %get3A_11] : memref<1x32xf32, #tpu.memory_space<vmem>>, vector<1x32xf32>
    %add3A = vector.broadcast %broadcast_in_dim3A : vector<128x1xf32> to vector<128x32xf32>
    %add3A_13 = vector.broadcast %get3A_12 : vector<1x32xf32> to vector<128x32xf32>
    %add3A_14 = arith.addf %add3A, %add3A_13 : vector<128x32xf32>
    %mul3A_15 = arith.constant 2.000000e+00 : f32
    %mul3A_16 = vector.broadcast %mul3A_15 : f32 to vector<128x32xf32>
    %mul3A_17 = arith.mulf %mul3A_16, %dot_general3A_8 : vector<128x32xf32>
    %sub3A = arith.subf %add3A_14, %mul3A_17 : vector<128x32xf32>
    %max3A = arith.constant 0.000000e+00 : f32
    %max3A_18 = vector.broadcast %max3A : f32 to vector<128x32xf32>
    %max3A_19 = arith.maximumf %sub3A, %max3A_18 : vector<128x32xf32>
    %sqrt3A = math.sqrt %max3A_19 : vector<128x32xf32>
    %iota3A = tpu.iota {dimensions = array<i32: 1>} : vector<128x32xi32>
    %convert_element_type3A_20 = arith.sitofp %iota3A : vector<128x32xi32> to vector<128x32xf32>
    %broadcast_in_dim3A_21 = arith.constant 0xFF800000 : f32
    %broadcast_in_dim3A_22 = vector.broadcast %broadcast_in_dim3A_21 : f32 to vector<128x256xf32>
    %reduce_min3A = arith.constant dense<0x7F800000> : vector<128xf32>
    %reduce_min3A_23 = vector.multi_reduction <minimumf>, %sqrt3A, %reduce_min3A [1] : vector<128x32xf32> to vector<128xf32>
    %broadcast_in_dim3A_24 = vector.shape_cast %reduce_min3A_23 : vector<128xf32> to vector<128x1xf32>
    %eq3A = vector.broadcast %broadcast_in_dim3A_24 : vector<128x1xf32> to vector<128x32xf32>
    %eq3A_25 = arith.cmpf oeq, %sqrt3A, %eq3A : vector<128x32xf32>
    %jit3A = arith.constant 3.200000e+01 : f32
    %broadcast_in_dim3A_26 = vector.broadcast %jit3A : f32 to vector<128x32xf32>
    %select_n3A = arith.select %eq3A_25, %convert_element_type3A_20, %broadcast_in_dim3A_26 : vector<128x32xi1>, vector<128x32xf32>
    %reduce_min3A_27 = arith.constant dense<0x7F800000> : vector<128xf32>
    %reduce_min3A_28 = vector.multi_reduction <minimumf>, %select_n3A, %reduce_min3A_27 [1] : vector<128x32xf32> to vector<128xf32>
    %broadcast_in_dim3A_29 = vector.shape_cast %reduce_min3A_28 : vector<128xf32> to vector<128x1xf32>
    %eq3A_30 = vector.broadcast %broadcast_in_dim3A_29 : vector<128x1xf32> to vector<128x32xf32>
    %eq3A_31 = arith.cmpf oeq, %convert_element_type3A_20, %eq3A_30 : vector<128x32xf32>
    %convert_element_type3A_32 = arith.extui %eq3A_31 : vector<128x32xi1> to vector<128x32xi32>
    %convert_element_type3A_33 = arith.sitofp %convert_element_type3A_32 : vector<128x32xi32> to vector<128x32xf32>
    %convert_element_type3A_34 = arith.truncf %convert_element_type3A_33 : vector<128x32xf32> to vector<128x32xbf16>
    %dot_general3A_35 = arith.constant dense<0.000000e+00> : vector<128x256xf32>
    %dot_general3A_36 = tpu.matmul %convert_element_type3A_34, %get3A_4, %dot_general3A_35 {dimension_numbers = #tpu.dot_dimension_numbers<[1], [0], [0], [1], [0, 0, 1, 1], [], []>, transpose_lhs_hint = false} : vector<128x32xbf16>, vector<32x256xbf16>, vector<128x256xf32> -> vector<128x256xf32>
    %dot_general3A_37 = arith.constant dense<0.000000e+00> : vector<128x256xf32>
    %dot_general3A_38 = tpu.matmul %convert_element_type3A_34, %get3A_7, %dot_general3A_37 {dimension_numbers = #tpu.dot_dimension_numbers<[1], [0], [0], [1], [0, 0, 1, 1], [], []>, transpose_lhs_hint = false} : vector<128x32xbf16>, vector<32x256xbf16>, vector<128x256xf32> -> vector<128x256xf32>
    %add3A_39 = arith.addf %dot_general3A_36, %dot_general3A_38 : vector<128x256xf32>
    %max3A_40 = arith.maximumf %broadcast_in_dim3A_22, %add3A_39 : vector<128x256xf32>
    %jit3A_41 = arith.constant 0x7F800000 : f32
    %broadcast_in_dim3A_42 = vector.broadcast %jit3A_41 : f32 to vector<128x32xf32>
    %select_n3A_43 = arith.select %eq3A_31, %broadcast_in_dim3A_42, %sqrt3A : vector<128x32xi1>, vector<128x32xf32>
    %reduce_min3A_44 = arith.constant dense<0x7F800000> : vector<128xf32>
    %reduce_min3A_45 = vector.multi_reduction <minimumf>, %select_n3A_43, %reduce_min3A_44 [1] : vector<128x32xf32> to vector<128xf32>
    %broadcast_in_dim3A_46 = vector.shape_cast %reduce_min3A_45 : vector<128xf32> to vector<128x1xf32>
    %eq3A_47 = vector.broadcast %broadcast_in_dim3A_46 : vector<128x1xf32> to vector<128x32xf32>
    %eq3A_48 = arith.cmpf oeq, %select_n3A_43, %eq3A_47 : vector<128x32xf32>
    %jit3A_49 = arith.constant 3.200000e+01 : f32
    %broadcast_in_dim3A_50 = vector.broadcast %jit3A_49 : f32 to vector<128x32xf32>
    %select_n3A_51 = arith.select %eq3A_48, %convert_element_type3A_20, %broadcast_in_dim3A_50 : vector<128x32xi1>, vector<128x32xf32>
    %reduce_min3A_52 = arith.constant dense<0x7F800000> : vector<128xf32>
    %reduce_min3A_53 = vector.multi_reduction <minimumf>, %select_n3A_51, %reduce_min3A_52 [1] : vector<128x32xf32> to vector<128xf32>
    %broadcast_in_dim3A_54 = vector.shape_cast %reduce_min3A_53 : vector<128xf32> to vector<128x1xf32>
    %eq3A_55 = vector.broadcast %broadcast_in_dim3A_54 : vector<128x1xf32> to vector<128x32xf32>
    %eq3A_56 = arith.cmpf oeq, %convert_element_type3A_20, %eq3A_55 : vector<128x32xf32>
    %convert_element_type3A_57 = arith.extui %eq3A_56 : vector<128x32xi1> to vector<128x32xi32>
    %convert_element_type3A_58 = arith.sitofp %convert_element_type3A_57 : vector<128x32xi32> to vector<128x32xf32>
    %convert_element_type3A_59 = arith.truncf %convert_element_type3A_58 : vector<128x32xf32> to vector<128x32xbf16>
    %dot_general3A_60 = arith.constant dense<0.000000e+00> : vector<128x256xf32>
    %dot_general3A_61 = tpu.matmul %convert_element_type3A_59, %get3A_4, %dot_general3A_60 {dimension_numbers = #tpu.dot_dimension_numbers<[1], [0], [0], [1], [0, 0, 1, 1], [], []>, transpose_lhs_hint = false} : vector<128x32xbf16>, vector<32x256xbf16>, vector<128x256xf32> -> vector<128x256xf32>
    %dot_general3A_62 = arith.constant dense<0.000000e+00> : vector<128x256xf32>
    %dot_general3A_63 = tpu.matmul %convert_element_type3A_59, %get3A_7, %dot_general3A_62 {dimension_numbers = #tpu.dot_dimension_numbers<[1], [0], [0], [1], [0, 0, 1, 1], [], []>, transpose_lhs_hint = false} : vector<128x32xbf16>, vector<32x256xbf16>, vector<128x256xf32> -> vector<128x256xf32>
    %add3A_64 = arith.addf %dot_general3A_61, %dot_general3A_63 : vector<128x256xf32>
    %max3A_65 = arith.maximumf %max3A_40, %add3A_64 : vector<128x256xf32>
    %jit3A_66 = arith.constant 0x7F800000 : f32
    %broadcast_in_dim3A_67 = vector.broadcast %jit3A_66 : f32 to vector<128x32xf32>
    %select_n3A_68 = arith.select %eq3A_56, %broadcast_in_dim3A_67, %select_n3A_43 : vector<128x32xi1>, vector<128x32xf32>
    %reduce_min3A_69 = arith.constant dense<0x7F800000> : vector<128xf32>
    %reduce_min3A_70 = vector.multi_reduction <minimumf>, %select_n3A_68, %reduce_min3A_69 [1] : vector<128x32xf32> to vector<128xf32>
    %broadcast_in_dim3A_71 = vector.shape_cast %reduce_min3A_70 : vector<128xf32> to vector<128x1xf32>
    %eq3A_72 = vector.broadcast %broadcast_in_dim3A_71 : vector<128x1xf32> to vector<128x32xf32>
    %eq3A_73 = arith.cmpf oeq, %select_n3A_68, %eq3A_72 : vector<128x32xf32>
    %jit3A_74 = arith.constant 3.200000e+01 : f32
    %broadcast_in_dim3A_75 = vector.broadcast %jit3A_74 : f32 to vector<128x32xf32>
    %select_n3A_76 = arith.select %eq3A_73, %convert_element_type3A_20, %broadcast_in_dim3A_75 : vector<128x32xi1>, vector<128x32xf32>
    %reduce_min3A_77 = arith.constant dense<0x7F800000> : vector<128xf32>
    %reduce_min3A_78 = vector.multi_reduction <minimumf>, %select_n3A_76, %reduce_min3A_77 [1] : vector<128x32xf32> to vector<128xf32>
    %broadcast_in_dim3A_79 = vector.shape_cast %reduce_min3A_78 : vector<128xf32> to vector<128x1xf32>
    %eq3A_80 = vector.broadcast %broadcast_in_dim3A_79 : vector<128x1xf32> to vector<128x32xf32>
    %eq3A_81 = arith.cmpf oeq, %convert_element_type3A_20, %eq3A_80 : vector<128x32xf32>
    %convert_element_type3A_82 = arith.extui %eq3A_81 : vector<128x32xi1> to vector<128x32xi32>
    %convert_element_type3A_83 = arith.sitofp %convert_element_type3A_82 : vector<128x32xi32> to vector<128x32xf32>
    %convert_element_type3A_84 = arith.truncf %convert_element_type3A_83 : vector<128x32xf32> to vector<128x32xbf16>
    %dot_general3A_85 = arith.constant dense<0.000000e+00> : vector<128x256xf32>
    %dot_general3A_86 = tpu.matmul %convert_element_type3A_84, %get3A_4, %dot_general3A_85 {dimension_numbers = #tpu.dot_dimension_numbers<[1], [0], [0], [1], [0, 0, 1, 1], [], []>, transpose_lhs_hint = false} : vector<128x32xbf16>, vector<32x256xbf16>, vector<128x256xf32> -> vector<128x256xf32>
    %dot_general3A_87 = arith.constant dense<0.000000e+00> : vector<128x256xf32>
    %dot_general3A_88 = tpu.matmul %convert_element_type3A_84, %get3A_7, %dot_general3A_87 {dimension_numbers = #tpu.dot_dimension_numbers<[1], [0], [0], [1], [0, 0, 1, 1], [], []>, transpose_lhs_hint = false} : vector<128x32xbf16>, vector<32x256xbf16>, vector<128x256xf32> -> vector<128x256xf32>
    %add3A_89 = arith.addf %dot_general3A_86, %dot_general3A_88 : vector<128x256xf32>
    %max3A_90 = arith.maximumf %max3A_65, %add3A_89 : vector<128x256xf32>
    %sub3A_91 = arith.subf %max3A_90, %get3A_1 : vector<128x256xf32>
    %swap3A = arith.constant 0 : index
    %swap3A_92 = arith.constant 0 : index
    %swap3A_93 = vector.load %arg5[%swap3A, %swap3A_92] : memref<128x256xf32, #tpu.memory_space<vmem>>, vector<128x256xf32>
    tpu.vector_store %arg5[%swap3A, %swap3A_92], %sub3A_91 {strides = array<i32>} : memref<128x256xf32, #tpu.memory_space<vmem>>, vector<128x256xf32>,
    return
  }
  func.func @transform_0(%arg0: i32) -> (i32, i32) {
    %c0_i32 = arith.constant 0 : i32
    %c0_i32_0 = arith.constant 0 : i32
    return %arg0, %c0_i32 : i32, i32
  }
  func.func @transform_1(%arg0: i32) -> (i32, i32) {
    %c0_i32 = arith.constant 0 : i32
    %c0_i32_0 = arith.constant 0 : i32
    %c0_i32_1 = arith.constant 0 : i32
    return %c0_i32, %c0_i32_0 : i32, i32
  }
  func.func @transform_2(%arg0: i32) -> (i32, i32) {
    %c0_i32 = arith.constant 0 : i32
    %c0_i32_0 = arith.constant 0 : i32
    %c0_i32_1 = arith.constant 0 : i32
    return %c0_i32, %c0_i32_0 : i32, i32
  }
  func.func @transform_3(%arg0: i32) -> (i32, i32) {
    %c0_i32 = arith.constant 0 : i32
    %c0_i32_0 = arith.constant 0 : i32
    %c0_i32_1 = arith.constant 0 : i32
    return %c0_i32, %c0_i32_0 : i32, i32
  }
  func.func @transform_4(%arg0: i32) -> (i32, i32) {
    %c0_i32 = arith.constant 0 : i32
    %c0_i32_0 = arith.constant 0 : i32
    return %arg0, %c0_i32 : i32, i32
  }
}

module attributes {stable_mosaic.version = 14 : i64} {
  func.func @_lin_ln_body(%arg0: memref<256x256xf32, #tpu.memory_space<vmem>>, %arg1: memref<256x256xf32, #tpu.memory_space<vmem>>, %arg2: memref<256x256xf32, #tpu.memory_space<vmem>>, %arg3: memref<256x768xf32, #tpu.memory_space<vmem>>, %arg4: memref<1x256xf32, #tpu.memory_space<vmem>>, %arg5: memref<1x256xf32, #tpu.memory_space<vmem>>, %arg6: memref<1x256xf32, #tpu.memory_space<vmem>>, %arg7: memref<256x256xf32, #tpu.memory_space<vmem>>) attributes {dimension_semantics = [], scalar_prefetch = 0 : i64, scratch_operands = 0 : i64, tpu.core_type = #tpu.core_type<tc>} {
    %get3A = arith.constant 0 : index
    %get3A_0 = arith.constant 0 : index
    %get3A_1 = vector.load %arg0[%get3A, %get3A_0] : memref<256x256xf32, #tpu.memory_space<vmem>>, vector<256x256xf32>
    %get3A_2 = arith.constant 0 : index
    %get3A_3 = arith.constant 0 : index
    %get3A_4 = vector.load %arg1[%get3A_2, %get3A_3] : memref<256x256xf32, #tpu.memory_space<vmem>>, vector<256x256xf32>
    %get3A_5 = arith.constant 0 : index
    %get3A_6 = arith.constant 0 : index
    %get3A_7 = vector.load %arg2[%get3A_5, %get3A_6] : memref<256x256xf32, #tpu.memory_space<vmem>>, vector<256x256xf32>
    %get3A_8 = arith.constant 0 : index
    %get3A_9 = arith.constant 0 : index
    %get3A_10 = vector.load %arg3[%get3A_8, %get3A_9] : memref<256x768xf32, #tpu.memory_space<vmem>>, vector<256x768xf32>
    %get3A_11 = arith.constant 0 : index
    %get3A_12 = arith.constant 0 : index
    %get3A_13 = vector.load %arg4[%get3A_11, %get3A_12] : memref<1x256xf32, #tpu.memory_space<vmem>>, vector<1x256xf32>
    %get3A_14 = arith.constant 0 : index
    %get3A_15 = arith.constant 0 : index
    %get3A_16 = vector.load %arg5[%get3A_14, %get3A_15] : memref<1x256xf32, #tpu.memory_space<vmem>>, vector<1x256xf32>
    %get3A_17 = arith.constant 0 : index
    %get3A_18 = arith.constant 0 : index
    %get3A_19 = vector.load %arg6[%get3A_17, %get3A_18] : memref<1x256xf32, #tpu.memory_space<vmem>>, vector<1x256xf32>
    %concatenate3A = tpu.concatenate %get3A_1, %get3A_4, %get3A_7 in 1 : vector<256x256xf32>, vector<256x256xf32>, vector<256x256xf32> -> vector<256x768xf32>
    %convert_element_type3A = arith.truncf %concatenate3A : vector<256x768xf32> to vector<256x768xbf16>
    %convert_element_type3A_20 = arith.truncf %get3A_10 : vector<256x768xf32> to vector<256x768xbf16>
    %dot_general3A = arith.constant dense<0.000000e+00> : vector<256x256xf32>
    %dot_general3A_21 = tpu.matmul %convert_element_type3A, %convert_element_type3A_20, %dot_general3A {dimension_numbers = #tpu.dot_dimension_numbers<[1], [1], [0], [0], [0, 0, 1, 0], [], []>, transpose_lhs_hint = false} : vector<256x768xbf16>, vector<256x768xbf16>, vector<256x256xf32> -> vector<256x256xf32>
    %add3A = vector.broadcast %get3A_13 : vector<1x256xf32> to vector<256x256xf32>
    %add3A_22 = arith.addf %dot_general3A_21, %add3A : vector<256x256xf32>
    %add3A_23 = arith.addf %get3A_1, %add3A_22 : vector<256x256xf32>
    %reduce_sum3A = arith.constant dense<0.000000e+00> : vector<256xf32>
    %reduce_sum3A_24 = vector.multi_reduction <add>, %add3A_23, %reduce_sum3A [1] : vector<256x256xf32> to vector<256xf32>
    %broadcast_in_dim3A = vector.shape_cast %reduce_sum3A_24 : vector<256xf32> to vector<256x1xf32>
    %div3A = arith.constant 2.560000e+02 : f32
    %div3A_25 = vector.broadcast %div3A : f32 to vector<256x1xf32>
    %div3A_26 = arith.divf %broadcast_in_dim3A, %div3A_25 : vector<256x1xf32>
    %sub3A = vector.broadcast %div3A_26 : vector<256x1xf32> to vector<256x256xf32>
    %sub3A_27 = arith.subf %add3A_23, %sub3A : vector<256x256xf32>
    %integer_pow3A = arith.mulf %sub3A_27, %sub3A_27 : vector<256x256xf32>
    %reduce_sum3A_28 = arith.constant dense<0.000000e+00> : vector<256xf32>
    %reduce_sum3A_29 = vector.multi_reduction <add>, %integer_pow3A, %reduce_sum3A_28 [1] : vector<256x256xf32> to vector<256xf32>
    %broadcast_in_dim3A_30 = vector.shape_cast %reduce_sum3A_29 : vector<256xf32> to vector<256x1xf32>
    %div3A_31 = arith.constant 2.560000e+02 : f32
    %div3A_32 = vector.broadcast %div3A_31 : f32 to vector<256x1xf32>
    %div3A_33 = arith.divf %broadcast_in_dim3A_30, %div3A_32 : vector<256x1xf32>
    %sub3A_34 = vector.broadcast %div3A_26 : vector<256x1xf32> to vector<256x256xf32>
    %sub3A_35 = arith.subf %add3A_23, %sub3A_34 : vector<256x256xf32>
    %add3A_36 = arith.constant 9.99999974E-6 : f32
    %add3A_37 = vector.broadcast %add3A_36 : f32 to vector<256x1xf32>
    %add3A_38 = arith.addf %div3A_33, %add3A_37 : vector<256x1xf32>
    %sqrt3A = math.sqrt %add3A_38 : vector<256x1xf32>
    %div3A_39 = vector.broadcast %sqrt3A : vector<256x1xf32> to vector<256x256xf32>
    %div3A_40 = arith.divf %sub3A_35, %div3A_39 : vector<256x256xf32>
    %mul3A = vector.broadcast %get3A_16 : vector<1x256xf32> to vector<256x256xf32>
    %mul3A_41 = arith.mulf %div3A_40, %mul3A : vector<256x256xf32>
    %add3A_42 = vector.broadcast %get3A_19 : vector<1x256xf32> to vector<256x256xf32>
    %add3A_43 = arith.addf %mul3A_41, %add3A_42 : vector<256x256xf32>
    %swap3A = arith.constant 0 : index
    %swap3A_44 = arith.constant 0 : index
    %swap3A_45 = vector.load %arg7[%swap3A, %swap3A_44] : memref<256x256xf32, #tpu.memory_space<vmem>>, vector<256x256xf32>
    tpu.vector_store %arg7[%swap3A, %swap3A_44], %add3A_43 {strides = array<i32>} : memref<256x256xf32, #tpu.memory_space<vmem>>, vector<256x256xf32>,
    return
  }
}

module attributes {stable_mosaic.version = 14 : i64} {
  func.func @_prep_body(%arg0: i32, %arg1: memref<256x256xf32, #tpu.memory_space<vmem>>, %arg2: memref<256x256xbf16, #tpu.memory_space<vmem>>, %arg3: memref<256x256xbf16, #tpu.memory_space<vmem>>, %arg4: memref<1x256xf32, #tpu.memory_space<vmem>>) attributes {dimension_semantics = [#tpu.dimension_semantics<arbitrary>], iteration_bounds = array<i64: 1>, scalar_prefetch = 0 : i64, scratch_operands = 0 : i64, tpu.core_type = #tpu.core_type<tc>, window_params = [{transform_indices = @transform_0, window_bounds = array<i64: 256, 256>}, {transform_indices = @transform_1, window_bounds = array<i64: 256, 256>}, {transform_indices = @transform_2, window_bounds = array<i64: 256, 256>}, {transform_indices = @transform_3, window_bounds = array<i64: 1, 256>}]} {
    %get3A = arith.constant 0 : index
    %get3A_0 = arith.constant 0 : index
    %get3A_1 = vector.load %arg1[%get3A, %get3A_0] : memref<256x256xf32, #tpu.memory_space<vmem>>, vector<256x256xf32>
    %convert_element_type3A = arith.truncf %get3A_1 : vector<256x256xf32> to vector<256x256xbf16>
    %convert_element_type3A_2 = arith.extf %convert_element_type3A : vector<256x256xbf16> to vector<256x256xf32>
    %sub3A = arith.subf %get3A_1, %convert_element_type3A_2 : vector<256x256xf32>
    %convert_element_type3A_3 = arith.truncf %sub3A : vector<256x256xf32> to vector<256x256xbf16>
    %swap3A = arith.constant 0 : index
    %swap3A_4 = arith.constant 0 : index
    %swap3A_5 = vector.load %arg2[%swap3A, %swap3A_4] : memref<256x256xbf16, #tpu.memory_space<vmem>>, vector<256x256xbf16>
    tpu.vector_store %arg2[%swap3A, %swap3A_4], %convert_element_type3A {strides = array<i32>} : memref<256x256xbf16, #tpu.memory_space<vmem>>, vector<256x256xbf16>,
    %swap3A_6 = arith.constant 0 : index
    %swap3A_7 = arith.constant 0 : index
    %swap3A_8 = vector.load %arg3[%swap3A_6, %swap3A_7] : memref<256x256xbf16, #tpu.memory_space<vmem>>, vector<256x256xbf16>
    tpu.vector_store %arg3[%swap3A_6, %swap3A_7], %convert_element_type3A_3 {strides = array<i32>} : memref<256x256xbf16, #tpu.memory_space<vmem>>, vector<256x256xbf16>,
    %mul3A = arith.mulf %get3A_1, %get3A_1 : vector<256x256xf32>
    %convert_element_type3A_9 = arith.truncf %mul3A : vector<256x256xf32> to vector<256x256xbf16>
    %convert_element_type3A_10 = arith.extf %convert_element_type3A_9 : vector<256x256xbf16> to vector<256x256xf32>
    %sub3A_11 = arith.subf %mul3A, %convert_element_type3A_10 : vector<256x256xf32>
    %convert_element_type3A_12 = arith.truncf %sub3A_11 : vector<256x256xf32> to vector<256x256xbf16>
    %convert_element_type3A_13 = arith.extf %convert_element_type3A_12 : vector<256x256xbf16> to vector<256x256xf32>
    %sub3A_14 = arith.subf %sub3A_11, %convert_element_type3A_13 : vector<256x256xf32>
    %convert_element_type3A_15 = arith.truncf %sub3A_14 : vector<256x256xf32> to vector<256x256xbf16>
    %broadcast_in_dim3A = arith.constant 1.000000e+00 : bf16
    %broadcast_in_dim3A_16 = vector.broadcast %broadcast_in_dim3A : bf16 to vector<1x256xbf16>
    %dot_general3A = arith.constant dense<0.000000e+00> : vector<1x256xf32>
    %dot_general3A_17 = tpu.matmul %broadcast_in_dim3A_16, %convert_element_type3A_9, %dot_general3A {dimension_numbers = #tpu.dot_dimension_numbers<[1], [1], [0], [0], [0, 0, 1, 0], [], []>, transpose_lhs_hint = false} : vector<1x256xbf16>, vector<256x256xbf16>, vector<1x256xf32> -> vector<1x256xf32>
    %dot_general3A_18 = arith.constant dense<0.000000e+00> : vector<1x256xf32>
    %dot_general3A_19 = tpu.matmul %broadcast_in_dim3A_16, %convert_element_type3A_12, %dot_general3A_18 {dimension_numbers = #tpu.dot_dimension_numbers<[1], [1], [0], [0], [0, 0, 1, 0], [], []>, transpose_lhs_hint = false} : vector<1x256xbf16>, vector<256x256xbf16>, vector<1x256xf32> -> vector<1x256xf32>
    %add3A = arith.addf %dot_general3A_17, %dot_general3A_19 : vector<1x256xf32>
    %dot_general3A_20 = arith.constant dense<0.000000e+00> : vector<1x256xf32>
    %dot_general3A_21 = tpu.matmul %broadcast_in_dim3A_16, %convert_element_type3A_15, %dot_general3A_20 {dimension_numbers = #tpu.dot_dimension_numbers<[1], [1], [0], [0], [0, 0, 1, 0], [], []>, transpose_lhs_hint = false} : vector<1x256xbf16>, vector<256x256xbf16>, vector<1x256xf32> -> vector<1x256xf32>
    %add3A_22 = arith.addf %add3A, %dot_general3A_21 : vector<1x256xf32>
    %swap3A_23 = arith.constant 0 : index
    %swap3A_24 = arith.constant 0 : index
    %swap3A_25 = vector.load %arg4[%swap3A_23, %swap3A_24] : memref<1x256xf32, #tpu.memory_space<vmem>>, vector<1x256xf32>
    tpu.vector_store %arg4[%swap3A_23, %swap3A_24], %add3A_22 {strides = array<i32>} : memref<1x256xf32, #tpu.memory_space<vmem>>, vector<1x256xf32>,
    return
  }
  func.func @transform_0(%arg0: i32) -> (i32, i32) {
    %c0_i32 = arith.constant 0 : i32
    %c0_i32_0 = arith.constant 0 : i32
    return %arg0, %c0_i32 : i32, i32
  }
  func.func @transform_1(%arg0: i32) -> (i32, i32) {
    %c0_i32 = arith.constant 0 : i32
    %c0_i32_0 = arith.constant 0 : i32
    return %arg0, %c0_i32 : i32, i32
  }
  func.func @transform_2(%arg0: i32) -> (i32, i32) {
    %c0_i32 = arith.constant 0 : i32
    %c0_i32_0 = arith.constant 0 : i32
    return %arg0, %c0_i32 : i32, i32
  }
  func.func @transform_3(%arg0: i32) -> (i32, i32) {
    %c0_i32 = arith.constant 0 : i32
    %c0_i32_0 = arith.constant 0 : i32
    return %c0_i32, %arg0 : i32, i32
  }
}

module attributes {stable_mosaic.version = 14 : i64} {
  func.func @_agg_body(%arg0: i32, %arg1: memref<128x256xf32, #tpu.memory_space<vmem>>, %arg2: memref<256x256xbf16, #tpu.memory_space<vmem>>, %arg3: memref<256x256xbf16, #tpu.memory_space<vmem>>, %arg4: memref<1x256xf32, #tpu.memory_space<vmem>>, %arg5: memref<128x256xf32, #tpu.memory_space<vmem>>) attributes {dimension_semantics = [#tpu.dimension_semantics<arbitrary>], iteration_bounds = array<i64: 8>, scalar_prefetch = 0 : i64, scratch_operands = 0 : i64, tpu.core_type = #tpu.core_type<tc>, window_params = [{transform_indices = @transform_0, window_bounds = array<i64: 128, 256>}, {pipeline_mode = #tpu.pipeline_mode<synchronous>, transform_indices = @transform_1, window_bounds = array<i64: 256, 256>}, {pipeline_mode = #tpu.pipeline_mode<synchronous>, transform_indices = @transform_2, window_bounds = array<i64: 256, 256>}, {pipeline_mode = #tpu.pipeline_mode<synchronous>, transform_indices = @transform_3, window_bounds = array<i64: 1, 256>}, {transform_indices = @transform_4, window_bounds = array<i64: 128, 256>}]} {
    %get3A = arith.constant 0 : index
    %get3A_0 = arith.constant 0 : index
    %get3A_1 = vector.load %arg1[%get3A, %get3A_0] : memref<128x256xf32, #tpu.memory_space<vmem>>, vector<128x256xf32>
    %convert_element_type3A = arith.truncf %get3A_1 : vector<128x256xf32> to vector<128x256xbf16>
    %get3A_2 = arith.constant 0 : index
    %get3A_3 = arith.constant 0 : index
    %get3A_4 = vector.load %arg2[%get3A_2, %get3A_3] : memref<256x256xbf16, #tpu.memory_space<vmem>>, vector<256x256xbf16>
    %get3A_5 = arith.constant 0 : index
    %get3A_6 = arith.constant 0 : index
    %get3A_7 = vector.load %arg3[%get3A_5, %get3A_6] : memref<256x256xbf16, #tpu.memory_space<vmem>>, vector<256x256xbf16>
    %dot_general3A = arith.constant dense<0.000000e+00> : vector<128x256xf32>
    %dot_general3A_8 = tpu.matmul %convert_element_type3A, %get3A_4, %dot_general3A {dimension_numbers = #tpu.dot_dimension_numbers<[1], [1], [0], [0], [0, 0, 1, 0], [], []>, transpose_lhs_hint = false} : vector<128x256xbf16>, vector<256x256xbf16>, vector<128x256xf32> -> vector<128x256xf32>
    %mul3A = arith.mulf %get3A_1, %get3A_1 : vector<128x256xf32>
    %reduce_sum3A = arith.constant dense<0.000000e+00> : vector<128xf32>
    %reduce_sum3A_9 = vector.multi_reduction <add>, %mul3A, %reduce_sum3A [1] : vector<128x256xf32> to vector<128xf32>
    %broadcast_in_dim3A = vector.shape_cast %reduce_sum3A_9 : vector<128xf32> to vector<128x1xf32>
    %get3A_10 = arith.constant 0 : index
    %get3A_11 = arith.constant 0 : index
    %get3A_12 = vector.load %arg4[%get3A_10, %get3A_11] : memref<1x256xf32, #tpu.memory_space<vmem>>, vector<1x256xf32>
    %add3A = vector.broadcast %broadcast_in_dim3A : vector<128x1xf32> to vector<128x256xf32>
    %add3A_13 = vector.broadcast %get3A_12 : vector<1x256xf32> to vector<128x256xf32>
    %add3A_14 = arith.addf %add3A, %add3A_13 : vector<128x256xf32>
    %mul3A_15 = arith.constant 2.000000e+00 : f32
    %mul3A_16 = vector.broadcast %mul3A_15 : f32 to vector<128x256xf32>
    %mul3A_17 = arith.mulf %mul3A_16, %dot_general3A_8 : vector<128x256xf32>
    %sub3A = arith.subf %add3A_14, %mul3A_17 : vector<128x256xf32>
    %max3A = arith.constant 0.000000e+00 : f32
    %max3A_18 = vector.broadcast %max3A : f32 to vector<128x256xf32>
    %max3A_19 = arith.maximumf %sub3A, %max3A_18 : vector<128x256xf32>
    %sqrt3A = math.sqrt %max3A_19 : vector<128x256xf32>
    %iota3A = tpu.iota {dimensions = array<i32: 1>} : vector<128x256xi32>
    %convert_element_type3A_20 = arith.sitofp %iota3A : vector<128x256xi32> to vector<128x256xf32>
    %broadcast_in_dim3A_21 = arith.constant 0xFF800000 : f32
    %broadcast_in_dim3A_22 = vector.broadcast %broadcast_in_dim3A_21 : f32 to vector<128x256xf32>
    %reduce_min3A = arith.constant dense<0x7F800000> : vector<128xf32>
    %reduce_min3A_23 = vector.multi_reduction <minimumf>, %sqrt3A, %reduce_min3A [1] : vector<128x256xf32> to vector<128xf32>
    %broadcast_in_dim3A_24 = vector.shape_cast %reduce_min3A_23 : vector<128xf32> to vector<128x1xf32>
    %eq3A = vector.broadcast %broadcast_in_dim3A_24 : vector<128x1xf32> to vector<128x256xf32>
    %eq3A_25 = arith.cmpf oeq, %sqrt3A, %eq3A : vector<128x256xf32>
    %jit3A = arith.constant 2.560000e+02 : f32
    %broadcast_in_dim3A_26 = vector.broadcast %jit3A : f32 to vector<128x256xf32>
    %select_n3A = arith.select %eq3A_25, %convert_element_type3A_20, %broadcast_in_dim3A_26 : vector<128x256xi1>, vector<128x256xf32>
    %reduce_min3A_27 = arith.constant dense<0x7F800000> : vector<128xf32>
    %reduce_min3A_28 = vector.multi_reduction <minimumf>, %select_n3A, %reduce_min3A_27 [1] : vector<128x256xf32> to vector<128xf32>
    %broadcast_in_dim3A_29 = vector.shape_cast %reduce_min3A_28 : vector<128xf32> to vector<128x1xf32>
    %eq3A_30 = vector.broadcast %broadcast_in_dim3A_29 : vector<128x1xf32> to vector<128x256xf32>
    %eq3A_31 = arith.cmpf oeq, %convert_element_type3A_20, %eq3A_30 : vector<128x256xf32>
    %convert_element_type3A_32 = arith.extui %eq3A_31 : vector<128x256xi1> to vector<128x256xi32>
    %convert_element_type3A_33 = arith.sitofp %convert_element_type3A_32 : vector<128x256xi32> to vector<128x256xf32>
    %convert_element_type3A_34 = arith.truncf %convert_element_type3A_33 : vector<128x256xf32> to vector<128x256xbf16>
    %dot_general3A_35 = arith.constant dense<0.000000e+00> : vector<128x256xf32>
    %dot_general3A_36 = tpu.matmul %convert_element_type3A_34, %get3A_4, %dot_general3A_35 {dimension_numbers = #tpu.dot_dimension_numbers<[1], [0], [0], [1], [0, 0, 1, 1], [], []>, transpose_lhs_hint = false} : vector<128x256xbf16>, vector<256x256xbf16>, vector<128x256xf32> -> vector<128x256xf32>
    %dot_general3A_37 = arith.constant dense<0.000000e+00> : vector<128x256xf32>
    %dot_general3A_38 = tpu.matmul %convert_element_type3A_34, %get3A_7, %dot_general3A_37 {dimension_numbers = #tpu.dot_dimension_numbers<[1], [0], [0], [1], [0, 0, 1, 1], [], []>, transpose_lhs_hint = false} : vector<128x256xbf16>, vector<256x256xbf16>, vector<128x256xf32> -> vector<128x256xf32>
    %add3A_39 = arith.addf %dot_general3A_36, %dot_general3A_38 : vector<128x256xf32>
    %max3A_40 = arith.maximumf %broadcast_in_dim3A_22, %add3A_39 : vector<128x256xf32>
    %jit3A_41 = arith.constant 0x7F800000 : f32
    %broadcast_in_dim3A_42 = vector.broadcast %jit3A_41 : f32 to vector<128x256xf32>
    %select_n3A_43 = arith.select %eq3A_31, %broadcast_in_dim3A_42, %sqrt3A : vector<128x256xi1>, vector<128x256xf32>
    %reduce_min3A_44 = arith.constant dense<0x7F800000> : vector<128xf32>
    %reduce_min3A_45 = vector.multi_reduction <minimumf>, %select_n3A_43, %reduce_min3A_44 [1] : vector<128x256xf32> to vector<128xf32>
    %broadcast_in_dim3A_46 = vector.shape_cast %reduce_min3A_45 : vector<128xf32> to vector<128x1xf32>
    %eq3A_47 = vector.broadcast %broadcast_in_dim3A_46 : vector<128x1xf32> to vector<128x256xf32>
    %eq3A_48 = arith.cmpf oeq, %select_n3A_43, %eq3A_47 : vector<128x256xf32>
    %jit3A_49 = arith.constant 2.560000e+02 : f32
    %broadcast_in_dim3A_50 = vector.broadcast %jit3A_49 : f32 to vector<128x256xf32>
    %select_n3A_51 = arith.select %eq3A_48, %convert_element_type3A_20, %broadcast_in_dim3A_50 : vector<128x256xi1>, vector<128x256xf32>
    %reduce_min3A_52 = arith.constant dense<0x7F800000> : vector<128xf32>
    %reduce_min3A_53 = vector.multi_reduction <minimumf>, %select_n3A_51, %reduce_min3A_52 [1] : vector<128x256xf32> to vector<128xf32>
    %broadcast_in_dim3A_54 = vector.shape_cast %reduce_min3A_53 : vector<128xf32> to vector<128x1xf32>
    %eq3A_55 = vector.broadcast %broadcast_in_dim3A_54 : vector<128x1xf32> to vector<128x256xf32>
    %eq3A_56 = arith.cmpf oeq, %convert_element_type3A_20, %eq3A_55 : vector<128x256xf32>
    %convert_element_type3A_57 = arith.extui %eq3A_56 : vector<128x256xi1> to vector<128x256xi32>
    %convert_element_type3A_58 = arith.sitofp %convert_element_type3A_57 : vector<128x256xi32> to vector<128x256xf32>
    %convert_element_type3A_59 = arith.truncf %convert_element_type3A_58 : vector<128x256xf32> to vector<128x256xbf16>
    %dot_general3A_60 = arith.constant dense<0.000000e+00> : vector<128x256xf32>
    %dot_general3A_61 = tpu.matmul %convert_element_type3A_59, %get3A_4, %dot_general3A_60 {dimension_numbers = #tpu.dot_dimension_numbers<[1], [0], [0], [1], [0, 0, 1, 1], [], []>, transpose_lhs_hint = false} : vector<128x256xbf16>, vector<256x256xbf16>, vector<128x256xf32> -> vector<128x256xf32>
    %dot_general3A_62 = arith.constant dense<0.000000e+00> : vector<128x256xf32>
    %dot_general3A_63 = tpu.matmul %convert_element_type3A_59, %get3A_7, %dot_general3A_62 {dimension_numbers = #tpu.dot_dimension_numbers<[1], [0], [0], [1], [0, 0, 1, 1], [], []>, transpose_lhs_hint = false} : vector<128x256xbf16>, vector<256x256xbf16>, vector<128x256xf32> -> vector<128x256xf32>
    %add3A_64 = arith.addf %dot_general3A_61, %dot_general3A_63 : vector<128x256xf32>
    %max3A_65 = arith.maximumf %max3A_40, %add3A_64 : vector<128x256xf32>
    %jit3A_66 = arith.constant 0x7F800000 : f32
    %broadcast_in_dim3A_67 = vector.broadcast %jit3A_66 : f32 to vector<128x256xf32>
    %select_n3A_68 = arith.select %eq3A_56, %broadcast_in_dim3A_67, %select_n3A_43 : vector<128x256xi1>, vector<128x256xf32>
    %reduce_min3A_69 = arith.constant dense<0x7F800000> : vector<128xf32>
    %reduce_min3A_70 = vector.multi_reduction <minimumf>, %select_n3A_68, %reduce_min3A_69 [1] : vector<128x256xf32> to vector<128xf32>
    %broadcast_in_dim3A_71 = vector.shape_cast %reduce_min3A_70 : vector<128xf32> to vector<128x1xf32>
    %eq3A_72 = vector.broadcast %broadcast_in_dim3A_71 : vector<128x1xf32> to vector<128x256xf32>
    %eq3A_73 = arith.cmpf oeq, %select_n3A_68, %eq3A_72 : vector<128x256xf32>
    %jit3A_74 = arith.constant 2.560000e+02 : f32
    %broadcast_in_dim3A_75 = vector.broadcast %jit3A_74 : f32 to vector<128x256xf32>
    %select_n3A_76 = arith.select %eq3A_73, %convert_element_type3A_20, %broadcast_in_dim3A_75 : vector<128x256xi1>, vector<128x256xf32>
    %reduce_min3A_77 = arith.constant dense<0x7F800000> : vector<128xf32>
    %reduce_min3A_78 = vector.multi_reduction <minimumf>, %select_n3A_76, %reduce_min3A_77 [1] : vector<128x256xf32> to vector<128xf32>
    %broadcast_in_dim3A_79 = vector.shape_cast %reduce_min3A_78 : vector<128xf32> to vector<128x1xf32>
    %eq3A_80 = vector.broadcast %broadcast_in_dim3A_79 : vector<128x1xf32> to vector<128x256xf32>
    %eq3A_81 = arith.cmpf oeq, %convert_element_type3A_20, %eq3A_80 : vector<128x256xf32>
    %convert_element_type3A_82 = arith.extui %eq3A_81 : vector<128x256xi1> to vector<128x256xi32>
    %convert_element_type3A_83 = arith.sitofp %convert_element_type3A_82 : vector<128x256xi32> to vector<128x256xf32>
    %convert_element_type3A_84 = arith.truncf %convert_element_type3A_83 : vector<128x256xf32> to vector<128x256xbf16>
    %dot_general3A_85 = arith.constant dense<0.000000e+00> : vector<128x256xf32>
    %dot_general3A_86 = tpu.matmul %convert_element_type3A_84, %get3A_4, %dot_general3A_85 {dimension_numbers = #tpu.dot_dimension_numbers<[1], [0], [0], [1], [0, 0, 1, 1], [], []>, transpose_lhs_hint = false} : vector<128x256xbf16>, vector<256x256xbf16>, vector<128x256xf32> -> vector<128x256xf32>
    %dot_general3A_87 = arith.constant dense<0.000000e+00> : vector<128x256xf32>
    %dot_general3A_88 = tpu.matmul %convert_element_type3A_84, %get3A_7, %dot_general3A_87 {dimension_numbers = #tpu.dot_dimension_numbers<[1], [0], [0], [1], [0, 0, 1, 1], [], []>, transpose_lhs_hint = false} : vector<128x256xbf16>, vector<256x256xbf16>, vector<128x256xf32> -> vector<128x256xf32>
    %add3A_89 = arith.addf %dot_general3A_86, %dot_general3A_88 : vector<128x256xf32>
    %max3A_90 = arith.maximumf %max3A_65, %add3A_89 : vector<128x256xf32>
    %jit3A_91 = arith.constant 0x7F800000 : f32
    %broadcast_in_dim3A_92 = vector.broadcast %jit3A_91 : f32 to vector<128x256xf32>
    %select_n3A_93 = arith.select %eq3A_81, %broadcast_in_dim3A_92, %select_n3A_68 : vector<128x256xi1>, vector<128x256xf32>
    %reduce_min3A_94 = arith.constant dense<0x7F800000> : vector<128xf32>
    %reduce_min3A_95 = vector.multi_reduction <minimumf>, %select_n3A_93, %reduce_min3A_94 [1] : vector<128x256xf32> to vector<128xf32>
    %broadcast_in_dim3A_96 = vector.shape_cast %reduce_min3A_95 : vector<128xf32> to vector<128x1xf32>
    %eq3A_97 = vector.broadcast %broadcast_in_dim3A_96 : vector<128x1xf32> to vector<128x256xf32>
    %eq3A_98 = arith.cmpf oeq, %select_n3A_93, %eq3A_97 : vector<128x256xf32>
    %jit3A_99 = arith.constant 2.560000e+02 : f32
    %broadcast_in_dim3A_100 = vector.broadcast %jit3A_99 : f32 to vector<128x256xf32>
    %select_n3A_101 = arith.select %eq3A_98, %convert_element_type3A_20, %broadcast_in_dim3A_100 : vector<128x256xi1>, vector<128x256xf32>
    %reduce_min3A_102 = arith.constant dense<0x7F800000> : vector<128xf32>
    %reduce_min3A_103 = vector.multi_reduction <minimumf>, %select_n3A_101, %reduce_min3A_102 [1] : vector<128x256xf32> to vector<128xf32>
    %broadcast_in_dim3A_104 = vector.shape_cast %reduce_min3A_103 : vector<128xf32> to vector<128x1xf32>
    %eq3A_105 = vector.broadcast %broadcast_in_dim3A_104 : vector<128x1xf32> to vector<128x256xf32>
    %eq3A_106 = arith.cmpf oeq, %convert_element_type3A_20, %eq3A_105 : vector<128x256xf32>
    %convert_element_type3A_107 = arith.extui %eq3A_106 : vector<128x256xi1> to vector<128x256xi32>
    %convert_element_type3A_108 = arith.sitofp %convert_element_type3A_107 : vector<128x256xi32> to vector<128x256xf32>
    %convert_element_type3A_109 = arith.truncf %convert_element_type3A_108 : vector<128x256xf32> to vector<128x256xbf16>
    %dot_general3A_110 = arith.constant dense<0.000000e+00> : vector<128x256xf32>
    %dot_general3A_111 = tpu.matmul %convert_element_type3A_109, %get3A_4, %dot_general3A_110 {dimension_numbers = #tpu.dot_dimension_numbers<[1], [0], [0], [1], [0, 0, 1, 1], [], []>, transpose_lhs_hint = false} : vector<128x256xbf16>, vector<256x256xbf16>, vector<128x256xf32> -> vector<128x256xf32>
    %dot_general3A_112 = arith.constant dense<0.000000e+00> : vector<128x256xf32>
    %dot_general3A_113 = tpu.matmul %convert_element_type3A_109, %get3A_7, %dot_general3A_112 {dimension_numbers = #tpu.dot_dimension_numbers<[1], [0], [0], [1], [0, 0, 1, 1], [], []>, transpose_lhs_hint = false} : vector<128x256xbf16>, vector<256x256xbf16>, vector<128x256xf32> -> vector<128x256xf32>
    %add3A_114 = arith.addf %dot_general3A_111, %dot_general3A_113 : vector<128x256xf32>
    %max3A_115 = arith.maximumf %max3A_90, %add3A_114 : vector<128x256xf32>
    %sub3A_116 = arith.subf %max3A_115, %get3A_1 : vector<128x256xf32>
    %swap3A = arith.constant 0 : index
    %swap3A_117 = arith.constant 0 : index
    %swap3A_118 = vector.load %arg5[%swap3A, %swap3A_117] : memref<128x256xf32, #tpu.memory_space<vmem>>, vector<128x256xf32>
    tpu.vector_store %arg5[%swap3A, %swap3A_117], %sub3A_116 {strides = array<i32>} : memref<128x256xf32, #tpu.memory_space<vmem>>, vector<128x256xf32>,
    return
  }
  func.func @transform_0(%arg0: i32) -> (i32, i32) {
    %c0_i32 = arith.constant 0 : i32
    %c0_i32_0 = arith.constant 0 : i32
    return %arg0, %c0_i32 : i32, i32
  }
  func.func @transform_1(%arg0: i32) -> (i32, i32) {
    %c0_i32 = arith.constant 0 : i32
    %c0_i32_0 = arith.constant 0 : i32
    %c0_i32_1 = arith.constant 0 : i32
    return %c0_i32, %c0_i32_0 : i32, i32
  }
  func.func @transform_2(%arg0: i32) -> (i32, i32) {
    %c0_i32 = arith.constant 0 : i32
    %c0_i32_0 = arith.constant 0 : i32
    %c0_i32_1 = arith.constant 0 : i32
    return %c0_i32, %c0_i32_0 : i32, i32
  }
  func.func @transform_3(%arg0: i32) -> (i32, i32) {
    %c0_i32 = arith.constant 0 : i32
    %c0_i32_0 = arith.constant 0 : i32
    %c0_i32_1 = arith.constant 0 : i32
    return %c0_i32, %c0_i32_0 : i32, i32
  }
  func.func @transform_4(%arg0: i32) -> (i32, i32) {
    %c0_i32 = arith.constant 0 : i32
    %c0_i32_0 = arith.constant 0 : i32
    return %arg0, %c0_i32 : i32, i32
  }
}

module attributes {stable_mosaic.version = 14 : i64} {
  func.func @_lin_ln_body(%arg0: memref<1024x256xf32, #tpu.memory_space<vmem>>, %arg1: memref<1024x256xf32, #tpu.memory_space<vmem>>, %arg2: memref<1024x256xf32, #tpu.memory_space<vmem>>, %arg3: memref<1024x256xf32, #tpu.memory_space<vmem>>, %arg4: memref<256x1024xf32, #tpu.memory_space<vmem>>, %arg5: memref<1x256xf32, #tpu.memory_space<vmem>>, %arg6: memref<1x256xf32, #tpu.memory_space<vmem>>, %arg7: memref<1x256xf32, #tpu.memory_space<vmem>>, %arg8: memref<1024x256xf32, #tpu.memory_space<vmem>>) attributes {dimension_semantics = [], scalar_prefetch = 0 : i64, scratch_operands = 0 : i64, tpu.core_type = #tpu.core_type<tc>} {
    %get3A = arith.constant 0 : index
    %get3A_0 = arith.constant 0 : index
    %get3A_1 = vector.load %arg0[%get3A, %get3A_0] : memref<1024x256xf32, #tpu.memory_space<vmem>>, vector<1024x256xf32>
    %get3A_2 = arith.constant 0 : index
    %get3A_3 = arith.constant 0 : index
    %get3A_4 = vector.load %arg1[%get3A_2, %get3A_3] : memref<1024x256xf32, #tpu.memory_space<vmem>>, vector<1024x256xf32>
    %get3A_5 = arith.constant 0 : index
    %get3A_6 = arith.constant 0 : index
    %get3A_7 = vector.load %arg2[%get3A_5, %get3A_6] : memref<1024x256xf32, #tpu.memory_space<vmem>>, vector<1024x256xf32>
    %get3A_8 = arith.constant 0 : index
    %get3A_9 = arith.constant 0 : index
    %get3A_10 = vector.load %arg3[%get3A_8, %get3A_9] : memref<1024x256xf32, #tpu.memory_space<vmem>>, vector<1024x256xf32>
    %get3A_11 = arith.constant 0 : index
    %get3A_12 = arith.constant 0 : index
    %get3A_13 = vector.load %arg4[%get3A_11, %get3A_12] : memref<256x1024xf32, #tpu.memory_space<vmem>>, vector<256x1024xf32>
    %get3A_14 = arith.constant 0 : index
    %get3A_15 = arith.constant 0 : index
    %get3A_16 = vector.load %arg5[%get3A_14, %get3A_15] : memref<1x256xf32, #tpu.memory_space<vmem>>, vector<1x256xf32>
    %get3A_17 = arith.constant 0 : index
    %get3A_18 = arith.constant 0 : index
    %get3A_19 = vector.load %arg6[%get3A_17, %get3A_18] : memref<1x256xf32, #tpu.memory_space<vmem>>, vector<1x256xf32>
    %get3A_20 = arith.constant 0 : index
    %get3A_21 = arith.constant 0 : index
    %get3A_22 = vector.load %arg7[%get3A_20, %get3A_21] : memref<1x256xf32, #tpu.memory_space<vmem>>, vector<1x256xf32>
    %concatenate3A = tpu.concatenate %get3A_1, %get3A_4, %get3A_7, %get3A_10 in 1 : vector<1024x256xf32>, vector<1024x256xf32>, vector<1024x256xf32>, vector<1024x256xf32> -> vector<1024x1024xf32>
    %convert_element_type3A = arith.truncf %concatenate3A : vector<1024x1024xf32> to vector<1024x1024xbf16>
    %convert_element_type3A_23 = arith.truncf %get3A_13 : vector<256x1024xf32> to vector<256x1024xbf16>
    %dot_general3A = arith.constant dense<0.000000e+00> : vector<1024x256xf32>
    %dot_general3A_24 = tpu.matmul %convert_element_type3A, %convert_element_type3A_23, %dot_general3A {dimension_numbers = #tpu.dot_dimension_numbers<[1], [1], [0], [0], [0, 0, 1, 0], [], []>, transpose_lhs_hint = false} : vector<1024x1024xbf16>, vector<256x1024xbf16>, vector<1024x256xf32> -> vector<1024x256xf32>
    %add3A = vector.broadcast %get3A_16 : vector<1x256xf32> to vector<1024x256xf32>
    %add3A_25 = arith.addf %dot_general3A_24, %add3A : vector<1024x256xf32>
    %add3A_26 = arith.addf %get3A_1, %add3A_25 : vector<1024x256xf32>
    %reduce_sum3A = arith.constant dense<0.000000e+00> : vector<1024xf32>
    %reduce_sum3A_27 = vector.multi_reduction <add>, %add3A_26, %reduce_sum3A [1] : vector<1024x256xf32> to vector<1024xf32>
    %broadcast_in_dim3A = vector.shape_cast %reduce_sum3A_27 : vector<1024xf32> to vector<1024x1xf32>
    %div3A = arith.constant 2.560000e+02 : f32
    %div3A_28 = vector.broadcast %div3A : f32 to vector<1024x1xf32>
    %div3A_29 = arith.divf %broadcast_in_dim3A, %div3A_28 : vector<1024x1xf32>
    %sub3A = vector.broadcast %div3A_29 : vector<1024x1xf32> to vector<1024x256xf32>
    %sub3A_30 = arith.subf %add3A_26, %sub3A : vector<1024x256xf32>
    %integer_pow3A = arith.mulf %sub3A_30, %sub3A_30 : vector<1024x256xf32>
    %reduce_sum3A_31 = arith.constant dense<0.000000e+00> : vector<1024xf32>
    %reduce_sum3A_32 = vector.multi_reduction <add>, %integer_pow3A, %reduce_sum3A_31 [1] : vector<1024x256xf32> to vector<1024xf32>
    %broadcast_in_dim3A_33 = vector.shape_cast %reduce_sum3A_32 : vector<1024xf32> to vector<1024x1xf32>
    %div3A_34 = arith.constant 2.560000e+02 : f32
    %div3A_35 = vector.broadcast %div3A_34 : f32 to vector<1024x1xf32>
    %div3A_36 = arith.divf %broadcast_in_dim3A_33, %div3A_35 : vector<1024x1xf32>
    %sub3A_37 = vector.broadcast %div3A_29 : vector<1024x1xf32> to vector<1024x256xf32>
    %sub3A_38 = arith.subf %add3A_26, %sub3A_37 : vector<1024x256xf32>
    %add3A_39 = arith.constant 9.99999974E-6 : f32
    %add3A_40 = vector.broadcast %add3A_39 : f32 to vector<1024x1xf32>
    %add3A_41 = arith.addf %div3A_36, %add3A_40 : vector<1024x1xf32>
    %sqrt3A = math.sqrt %add3A_41 : vector<1024x1xf32>
    %div3A_42 = vector.broadcast %sqrt3A : vector<1024x1xf32> to vector<1024x256xf32>
    %div3A_43 = arith.divf %sub3A_38, %div3A_42 : vector<1024x256xf32>
    %mul3A = vector.broadcast %get3A_19 : vector<1x256xf32> to vector<1024x256xf32>
    %mul3A_44 = arith.mulf %div3A_43, %mul3A : vector<1024x256xf32>
    %add3A_45 = vector.broadcast %get3A_22 : vector<1x256xf32> to vector<1024x256xf32>
    %add3A_46 = arith.addf %mul3A_44, %add3A_45 : vector<1024x256xf32>
    %swap3A = arith.constant 0 : index
    %swap3A_47 = arith.constant 0 : index
    %swap3A_48 = vector.load %arg8[%swap3A, %swap3A_47] : memref<1024x256xf32, #tpu.memory_space<vmem>>, vector<1024x256xf32>
    tpu.vector_store %arg8[%swap3A, %swap3A_47], %add3A_46 {strides = array<i32>} : memref<1024x256xf32, #tpu.memory_space<vmem>>, vector<1024x256xf32>,
    return
  }
}

</mosaic_0001>

<sc_bundles>
// kernel: gather_offload_async_start.1
scs
__scs_entry_jumppad:
0x0: {  	(pc) =	sbr.rel $0x88, $3  }
0x1: {  	(tag) =	ssettag $0x0;
	lr =	simm.s32 $0x1  }
0x2: {  	[smem:$0x3F91] =	sst lr;
	_ =	strace $0xD0000000  }
0x3: {  	_ = 	snop  }
0x4: {  	_ = 	snop  }
0x5: {  	_ = 	snop  }
0x6: {  	_ = 	snop  }
0x7: {  	_ = 	snop  }
__scs_overlays_trampoline_lowered:
0x8: {  	[smem:$0x3FA0] =	sst s0  }
0x9: {  	[smem:$0x3FA1] =	sst s1  }
0xa: {  	[smem:$0x3FA2] =	sst s2  }
0xb: {  	[smem:$0x3FA3] =	sst s3  }
0xc: {  	[smem:$0x3FA4] =	sst s4  }
0xd: {  	[smem:$0x3FA5] =	sst s5  }
0xe: {  	[smem:$0x3FA6] =	sst s6  }
0xf: {  	[smem:$0x3FA7] =	sst s7  }
0x10: {  	[smem:$0x3FA8] =	sst s8  }
0x11: {  	[smem:$0x3FA9] =	sst s9;
	s0 =	simm.s32 @!p0 $0x0  }
0x12: {  	s1 =	sld [smem:$0x3F8F];
	s0 =	simm.s32 @p0 $0x1  }
0x13: {  	[smem:$0x3FAA] =	sst s0;
	s0 =	simm.s32 @!p1 $0x0  }
0x14: {  	s2 =	sld [smem:$0x3F8E];
	s0 =	simm.s32 @p1 $0x1  }
0x15: {  	[smem:$0x3FAB] =	sst s0;
	s0 =	simm.s32 @!p2 $0x0  }
0x16: {  	s3 =	sld [smem:$0x3FDB];
	s0 =	simm.s32 @p2 $0x1  }
0x17: {  	s4 =	simm.s32 $0x1BF5;
	[smem:$0x3FAD] =	sst s0  }
0x18: {  	s0 =	sld [smem:$0x3F90];
	_ =	swait.ge [sflag:s4], $0x0  }
0x19: {  	s7 =	sld [smem:$0x3F91]  }
0x1a: {  	s8 =	sadd.s32 $0xFFFFE003, lr  }
0x1b: {  	s9 =	sadd.s32 $0xFFFFFEF7, lr;
	s5 =	simm.s32 $0xFFFFFFFF;
	p2 =	slt.u32 s8, $0xFFFFF086  }
0x1c: {  	p1 =	slt.u32 s9, $0xF7A;
	s5 =	simm.s32 @!p2 $0x0  }
0x1d: {  	s5 =	simm.s32 @p1 $0x1;
	p0 =	seq.s32 s7, s2  }
0x1e: {  	s7 =	smul.u32 @!p0 $0xF7A, s2;
	p2 =	seq.s32 @!p0 s5, $0x0  }
0x1f: {  	s9 =	smul.u32 $0xF7A, s1;
	s8 =	simm.s32 @!p0 $0x1BF5;
	p2 =	por !p2, p0  }
0x20: {  	[sflag:s8] =	ssyncset.s32 @!p0 $0xFFFFF086;
	s6 =	sadd.s32 @!p0 s3, s7;
	s7 =	simm.s32 @!p0 $0x108  }
0x21: {  	s3 =	sadd.s32 s3, s9;
	s6 =	sadd.s32 @!p0 $0x88, s6;
	s7 =	simm.s32 @p2 $0x1082  }
0x22: {  	[simem:s7], [sflag:s8] =	dma.local @!p0 [hbm:s6], $0xF7A  }
0x23: {  	s9 =	sor.u32 $0xD0000000, s2;
	s6 =	simm.s32 $0x108;
	_ =	swait.ge @!p0 [sflag:s8], $0x0  }
0x24: {  	s3 =	sadd.s32 $0x88, s3;
	s6 =	simm.s32 @!p1 $0x1082;
	[sflag:s4] =	ssyncset.s32 $0xFFFFF086  }
0x25: {  	[simem:s6], [sflag:s4] =	dma.local [hbm:s3], $0xF7A  }
0x26: {  	[smem:$0x3F91] =	sst s1;
	(tag) =	ssettag s2;
	_ =	strace s9  }
0x27: {  	s1 =	sld [smem:$0x3FA1]  }
0x28: {  	s2 =	sld [smem:$0x3FA2]  }
0x29: {  	s4 =	sld [smem:$0x3FA4]  }
0x2a: {  	p0 =	seq.s32 s5, $0x0;
	s5 =	sld [smem:$0x3FA5]  }
0x2b: {  	s6 =	sld [smem:$0x3FA6]  }
0x2c: {  	s7 =	sld [smem:$0x3FA7]  }
0x2d: {  	s3 =	simm.s32 $0x108;
	s8 =	sld [smem:$0x3FA8]  }
0x2e: {  	s3 =	simm.s32 @!p0 $0x1082;
	s9 =	sld [smem:$0x3FA9]  }
0x2f: {  	lr =	sadd.s32 s0, s3;
	s0 =	sld [smem:$0x3FA0]  }
0x30: {  	s3 =	sld [smem:$0x3FA3]  }
0x31: {  	[smem:$0x3FAC] =	sst s10  }
0x32: {  	s10 =	sld [smem:$0x3FAA];
	_ =	sdelay $0x3  }
0x33: {  	p0 =	seq.s32 s10, $0x1;
	s10 =	sld [smem:$0x3FAC];
	_ =	sdelay $0x3  }
0x34: {  	[smem:$0x3FAC] =	sst s10  }
0x35: {  	s10 =	sld [smem:$0x3FAB];
	_ =	sdelay $0x3  }
0x36: {  	p1 =	seq.s32 s10, $0x1;
	s10 =	sld [smem:$0x3FAC];
	_ =	sdelay $0x3  }
0x37: {  	[smem:$0x3FAC] =	sst s10  }
0x38: {  	s10 =	sld [smem:$0x3FAD]  }
0x39: {  	_ = 	snop;
	(pc) =	sbr.ind lr, $3  }
0x3a: {  	_ = 	snop  }
0x3b: {  	_ = 	snop  }
0x3c: {  	p2 =	seq.s32 s10, $0x1;
	s10 =	sld [smem:$0x3FAC]  }
0x3d: {  	_ =	shalt  }
0x3e: {  	_ =	shalt  }
0x3f: {  	_ =	shalt  }
0x40: {  	_ =	shalt  }
0x41: {  	_ =	shalt  }
0x42: {  	_ =	shalt  }
0x43: {  	_ =	shalt  }
0x44: {  	_ =	shalt  }
0x45: {  	_ =	shalt  }
0x46: {  	_ =	shalt  }
0x47: {  	_ =	shalt  }
0x48: {  	_ =	shalt  }
0x49: {  	_ =	shalt  }
0x4a: {  	_ =	shalt  }
0x4b: {  	_ =	shalt  }
0x4c: {  	_ =	shalt  }
0x4d: {  	_ =	shalt  }
0x4e: {  	_ =	shalt  }
0x4f: {  	_ =	shalt  }
0x50: {  	_ =	shalt  }
0x51: {  	_ =	shalt  }
0x52: {  	_ =	shalt  }
0x53: {  	_ =	shalt  }
0x54: {  	_ =	shalt  }
0x55: {  	_ =	shalt  }
0x56: {  	_ =	shalt  }
0x57: {  	_ =	shalt  }
0x58: {  	_ =	shalt  }
0x59: {  	_ =	shalt  }
0x5a: {  	_ =	shalt  }
0x5b: {  	_ =	shalt  }
0x5c: {  	_ =	shalt  }
0x5d: {  	_ =	shalt  }
0x5e: {  	_ =	shalt  }
0x5f: {  	_ =	shalt  }
0x60: {  	_ =	shalt  }
0x61: {  	_ =	shalt  }
0x62: {  	_ =	shalt  }
0x63: {  	_ =	shalt  }
0x64: {  	_ =	shalt  }
0x65: {  	_ =	shalt  }
0x66: {  	_ =	shalt  }
0x67: {  	_ =	shalt  }
0x68: {  	_ =	shalt  }
0x69: {  	_ =	shalt  }
0x6a: {  	_ =	shalt  }
0x6b: {  	_ =	shalt  }
0x6c: {  	_ =	shalt  }
0x6d: {  	_ =	shalt  }
0x6e: {  	_ =	shalt  }
0x6f: {  	_ =	shalt  }
0x70: {  	_ =	shalt  }
0x71: {  	_ =	shalt  }
0x72: {  	_ =	shalt  }
0x73: {  	_ =	shalt  }
0x74: {  	_ =	shalt  }
0x75: {  	_ =	shalt  }
0x76: {  	_ =	shalt  }
0x77: {  	_ =	shalt  }
0x78: {  	_ =	shalt  }
0x79: {  	_ =	shalt  }
0x7a: {  	_ =	shalt  }
0x7b: {  	_ =	shalt  }
0x7c: {  	_ =	shalt  }
0x7d: {  	_ =	shalt  }
0x7e: {  	_ =	shalt  }
0x7f: {  	_ =	shalt  }
0x80: {  	_ =	shalt  }
0x81: {  	_ =	shalt  }
0x82: {  	_ =	shalt  }
0x83: {  	_ =	shalt  }
0x84: {  	_ =	shalt  }
0x85: {  	_ =	shalt  }
0x86: {  	_ =	shalt  }
0x87: {  	_ =	shalt  }
.Lfunc_end0:
.L_simem_size_0:
called_computation.1_lowered:
.L_overlay_start_0:
0x88: {  	s2 =	sld [smem:$0x3FD9]  }
0x89: {  	s3 =	sld [smem:$0x3FFE];
	_ =	sdelay $0x1  }
0x8a: {  	s1 =	srdreg.scid  }
0x8b: {  	s0 =	sand.u32 $0x1, s1  }
0x8c: {  	s15 =	sshll.u32 s0, $0xA;
	s2 =	sadd.s32 s3, s2  }
0x8d: {  	s2 =	sadd.s32 s2, s15  }
0x8e: {  	[smem:$0x3FB8] =	sst s2  }
0x8f: {  	_ = 	snop  }
0x90: {  	s16 =	sld [smem:$0x3FD0];
	_ =	sdelay $0x2  }
0x91: {  	s4 =	simm.s32 $0xB;
	s5 =	simm.s32 $0x10;
	s2 =	sld [smem:$0x3FC9]  }
0x92: {  	[smem:s5], [sflag:s4] =	dma.local [hbm:s16], $0x1  }
0x93: {  	_ =	swait.eq [sflag:s4], $0x1  }
0x94: {  	[sflag:s4] =	ssyncset.done $0x0  }
0x95: {  	[sflag:s4] =	ssyncadd.s32 $0xFFFFFFFF  }
0x96: {  	s17 =	sld [smem:$0x12];
	(tm) =	ssettm $0x1  }
0x97: {  	s18 =	sld [smem:$0x3FFB];
	_ =	sdelay $0x3  }
0x98: {  	_ =	strace s18  }
0x99: {  	s3 =	sld [smem:$0x3FFC];
	_ =	sdelay $0x3  }
0x9a: {  	_ =	strace s3  }
0x9b: {  	s3 =	sld [smem:$0x3FFD];
	_ =	sdelay $0x3  }
0x9c: {  	_ =	strace s3  }
0x9d: {  	_ =	strace $0x8FFFFFFF  }
0x9e: {  	s19 =	sld [smem:$0x3FDB];
	_ =	sdelay $0x1  }
0x9f: {  	s20 =	simm.s32 $_scs_section_size  }
0xa0: {  	s6 =	simm.s32 $_size__tile_overlayer_lowered;
	s7 =	simm.s32 $_tile_overlayer_lowered  }
0xa1: {  	s8 =	simm.s32 $0x1BFF;
	s21 =	sshll.u32 s7, $0x1;
	s5 =	sadd.s32 s20, s19  }
0xa2: {  	s22 =	simm.s32 $0x0;
	s6 =	sshll.u32 s6, $0x1;
	s7 =	sadd.s32 s21, s5  }
0xa3: {  	[timem:s22], [sflag:s8] =	dma.local [hbm:s7], s6  }
0xa4: {  	_ =	swait.ge [sflag:s8], s6  }
0xa5: {  	s6 =	ssub.s32 $0x0, s6;
	[sflag:s8] =	ssyncset.done $0x0  }
0xa6: {  	[sflag:s8] =	ssyncadd.s32 s6;
	_ =	sdelay $0x1  }
0xa7: {  	s23 =	simm.s32 $0x1B8B  }
0xa8: {  	_ =	swait.ge [sflag:s23], $0x1  }
0xa9: {  	[sflag:s23] =	ssyncset.done $0x0  }
0xaa: {  	[sflag:s23] =	ssyncadd.s32 $0xFFFFFFFF  }
0xab: {  	s6 =	sld [smem:$0x0]  }
0xac: {  	s7 =	sand.u32 $0xFFFFFFFE, s1  }
0xad: {  	p0 =	sne.s32 s1, s7  }
0xae: {  	s7 =	sshll.u32 @p0 s7, $0xE  }
0xaf: {  	s7 =	sadd.s32 @p0 $0x11B8D, s7;
	s8 =	sshll.u32 @p0 s6, $0x11  }
0xb0: {  	s7 =	sor.u32 @p0 s8, s7  }
0xb1: {  	[sflag:s7] =	ssyncadd.remote.s32 @p0 $0x1;
	_ =	sdelay $0x1  }
0xb2: {  	s7 =	simm.s32 @p0 $0x1B8D  }
0xb3: {  	_ =	swait.eq @p0 [sflag:s7], $0x1  }
0xb4: {  	[sflag:s7] =	ssyncadd.s32 @p0 $0xFFFFFFFF  }
0xb5: {  	s8 =	sshll.u32 @!p0 s1, $0xE  }
0xb6: {  	s8 =	sor.u32 @!p0 $0x4000, s8;
	s7 =	simm.s32 @!p0 $0x1B8D  }
0xb7: {  	s6 =	sshll.u32 @!p0 s6, $0x11;
	s8 =	sadd.s32 @!p0 $0x11B8D, s8;
	_ =	swait.eq @!p0 [sflag:s7], $0x1  }
0xb8: {  	s6 =	sor.u32 @!p0 s6, s8;
	[sflag:s7] =	ssyncadd.s32 @!p0 $0xFFFFFFFF  }
0xb9: {  	s25 =	simm.s32 $0x1B8E;
	s24 =	sld [smem:$0x3FFE];
	[sflag:s6] =	ssyncadd.remote.s32 @!p0 $0x1  }
0xba: {  	s26 =	simm.s32 $execute0_lowered;
	[smem:$0x3FD2] =	sst s25  }
0xbb: {  	s7 =	sshll.u32 s26, $0x1;
	_ =	strace $0x80000049;
	[dreg:$0x1] =	wrdreg $0xFFFFFFFF  }
0xbc: {  	s28 =	simm.s32 $_size_execute0_lowered;
	s5 =	sadd.s32 s5, s7;
	[dreg:$0x0] =	wrdreg $0x0  }
0xbd: {  	s7 =	sshll.u32 s28, $0x1;
	[dreg:$0x2] =	wrdreg s5  }
0xbe: {  	[dreg:$0x3] =	wrdreg s7  }
0xbf: {  	[dreg:$0x4] =	wrdreg $0xC0  }
0xc0: {  	_ =	task [dreg:s22], $0x5FFFF  }
0xc1: {  	[dreg:$0x1] =	wrdreg $0xFFFFFFFF  }
0xc2: {  	[dreg:$0x0] =	wrdreg $0x60  }
0xc3: {  	[dreg:$0x2] =	wrdreg s2  }
0xc4: {  	[dreg:$0x3] =	wrdreg s17  }
0xc5: {  	[dreg:$0x4] =	wrdreg s24  }
0xc6: {  	[dreg:$0x5] =	wrdreg $0xA  }
0xc7: {  	_ =	task.clear_ibuf [dreg:s22], $0x6FFFF;
	_ =	strace $0x90000049  }
0xc8: {  	s29 =	simm.s32 $0xA;
	_ =	strace $0x8000004B  }
0xc9: {  	_ =	swait.ge [sflag:s29], $0x1  }
0xca: {  	[sflag:s29] =	ssyncadd.s32 $0xFFFFFFFF  }
0xcb: {  	_ =	strace $0x9000004B  }
0xcc: {  	_ =	sfence  }
0xcd: {  	s30 =	sld [smem:$0x0];
	_ =	sdelay $0x2  }
0xce: {  	s31 =	sshll.u32 s1, $0xD;
	s1 =	sshrl.u32 s1, $0x2  }
0xcf: {  	s4 =	sand.u32 $0x4000, s31;
	s1 =	sadd.s32 s1, s30  }
0xd0: {  	s0 =	sor.u32 s4, s0;
	s1 =	sshll.u32 s1, $0x11  }
0xd1: {  	s0 =	sor.u32 s1, s0  }
0xd2: {  	s0 =	sadd.s32 $0x8F2B, s0  }
0xd3: {  	[sflag:s0] =	ssyncadd.remote.s32 $0x1  }
0xd4: {  	_ =	sfence.sel $0xFFFF  }
0xd5: {  	[dreg:$0x0] =	wrdreg $0xFFFFFFFF;
	(pc) =	sbr.abs _section_cstart, $3  }
0xd6: {  	[dreg:$0x1] =	wrdreg $0xFFFFFFFF  }
0xd7: {  	_ =	task.clear_ibuf [dreg:s22], $0x2FFFF;
	_ =	strace $0x9FFFFFFF  }
0xd8: {  	(tm) =	ssettm $0x7FFFFFFF  }
0xd9: {  	_ =	shalt  }
tec
execute0_lowered:
.L_overlay_start_1:
0x0: {  	(tag) =	ssettag $0x1  }
0x1: {  	s0 =	srdreg.scid  }
0x2: {  	s1 =	sshll.u32 s0, $0x4  }
0x3: {  	s0 =	stileid.u32;
	s1 =	sand.u32 $0x10, s1  }
0x4: {  	s2 =	sor.u32 s0, s1  }
0x5: {  	s3 =	smin.u32 s2, $0x10  }
0x6: {  	s1 =	sshrl.u32 s1, $0x4;
	s2 =	sadd.s32 s2, s3  }
0x7: {  	s1 =	ssub.s32 s2, s1  }
0x8: {  	s1 =	smul.u32 $0xC0, s1;
	_ =	sdelay $0x1  }
0x9: {  	s2 =	smul.u32 $0xC0, s2;
	s1 =	sadd.s32 $0x180, s1  }
0xa: {  	s3 =	smin.u32 s1, $0x2400  }
0xb: {  	s7 =	ssub.s32 s3, s2  }
0xc: {  	p0 =	sgt.s32 s7, $0x0  }
0xd: {  	s4 =	rddreg [dreg:$0x0];
	s7 =	simm.s32 @!p0 $0x0  }
0xe: {  	s5 =	rddreg [dreg:$0x1];
	s31 =	smul.u32 $0xAAAB, s7  }
0xf: {  	s9 =	rddreg [dreg:$0x2]  }
0x10: {  	s6 =	simm.s32 $0x1;
	s11 =	simm.s32 $0x3;
	s8 =	sshrl.u32 s31, $0x17  }
0x11: {  	s13 =	simm.s32 $0x0;
	s12 =	simm.s32 $0x0;
	s10 =	smul.u32 $0xC0, s8  }
.Ltmp0:
0x12: {  	s9 =	sadd.s32 $0x12800, s9;
	s1 =	rddreg [dreg:$0x3];
	(pc) =	sbr.rel .LBB2_1-.Ltmp0, $4  }
0x13: {  	_ =	strace $0x8000004A;
	p0 =	sne.s32 s7, s10;
	s10 =	simm.s32 $0x1  }
0x14: {  	[sflag:s6] =	ssyncpa.u1 $0x0;
	s7 =	simm.s32 $0x2;
	s10 =	simm.s32 @!p0 $0x0  }
0x15: {  	[sflag:s7] =	ssyncpa.u1 $0x0;
	p0 =	por $0x0, $0x0;
	s8 =	sadd.s32 s8, s10  }
0x16: {  	vm0 =	vmmov $0xff;
	vm1 =	vcmask $0x3F20;
	[sflag:s11] =	ssyncpa.u1 $0x0;
	s11 =	smov.u32 s2;
	s10 =	sadd.s32 $0x1, s8  }
.LBB2_8:
0x17: {  	[hbm:s17] =	stream.linear.scatter [tilespmem:s14], [sflag:$0x3], $0x800, $0x38;
	[tilespmem:$0x18180] =	vst v63  }
.LBB2_9:
0x18: {  	s13 =	sadd.s32 $0xC0, s11  }
0x19: {  	s15 =	smov.u32 s2;
	p2 =	slt.s32 s13, s3  }
0x1a: {  	s15 =	smov.u32 @p2 s13;
	p2 =	sne.s32 s12, s10  }
.Ltmp1:
0x1b: {  	p1 =	slt.u32 s12, $0x2;
	(pc) =	sbr.rel @!p2 .LBB2_10-.Ltmp1, $4  }
0x1c: {  	s14 =	simm.s32 @!p1 $0x3  }
0x1d: {  	s16 =	sadd.s32 $0x1, s12;
	_ =	swait.ge @!p1 [sflag:s14], $0xC000  }
0x1e: {  	p0 =	por !p0, !p0;
	s13 =	smov.u32 s11;
	[sflag:s14] =	ssyncset.done @!p1 $0x0  }
0x1f: {  	s12 =	smov.u32 s16;
	s11 =	smov.u32 s15;
	[sflag:s14] =	ssyncadd.s32 @!p1 $0xFFFF4000  }
.LBB2_1:
0x20: {  	p1 =	sge.u32 s12, s8  }
0x21: {  	s14 =	sxor.u32 @!p1 $0xFFFFFFFF, s12  }
0x22: {  	s14 =	sand.u32 @!p1 $0x1, s14  }
0x23: {  	s14 =	smul.u32 @!p1 $0x300, s14  }
0x24: {  	s31 =	sadd.s32 $0xFFFFFFFF, s12;
	s15 =	sshrl.u32 @!p1 s11, $0x3  }
0x25: {  	s16 =	sand.u32 @!p1 $0x7, s11;
	s15 =	sadd.s32 @!p1 s5, s15;
	s14 =	sshrl.u32 @!p1 s14, $0x2  }
0x26: {  	[tilespmem:s14], [sflag:$0x2] =	stream.linear.gather @!p1 [hbm4b:s15+s16], $0xC0, $0x38;
	[tilespmem:$0x18180] =	vst v63  }
0x27: {  	p1 =	sge.u32 s31, s8  }
.Ltmp2:
0x28: {  	_ = 	snop;
	(pc) =	sbr.rel @p1 .LBB2_9-.Ltmp2, $1  }
0x29: {  	_ =	sdelay $0x3  }
0x2a: {  	s14 =	simm.s32 $0x1;
	s15 =	sand.u32 $0x1, s12  }
0x2b: {  	s14 =	simm.s32 @!p0 $0x0;
	s16 =	smul.u32 $0x30000, s15  }
0x2c: {  	_ =	swait.ge [sflag:s7], $0xC0;
	s14 =	smul.u32 $0x30000, s14  }
0x2d: {  	s17 =	simm.s32 $0x0;
	[sflag:s7] =	ssyncset.done $0x0;
	s15 =	smul.u32 $0x300, s15  }
0x2e: {  	[sflag:s7] =	ssyncadd.s32 $0xFFFFFF40;
	s16 =	sshrl.u32 s16, $0x2;
	s14 =	sshrl.u32 s14, $0x2  }
0x2f: {  	s15 =	sshrl.u32 s15, $0x2;
	s16 =	sor.u32 $0x180, s16;
	s14 =	sor.u32 $0x180, s14  }
.LBB2_3:
0x30: {  	s18 =	sshll.u32 s17, $0x4  }
0x31: {  	s18 =	sand.u32 $0x3FFFFFF0, s18  }
0x32: {  	s18 =	sadd.s32 s18, s15  }
0x33: {  	v0 =	vld.msk [tilespmem:s18+$0x0 ss:$0x1], $0xffff;
	_ =	sdelay $0x4  }
0x34: {  	vm2 =	vgt.s32 v0, $0x0  }
0x35: {  	v0 =	vnsel vm2, $0x0, v0  }
0x36: {  	v0 =	vmin.u32 v0, $0x3FFF  }
0x37: {  	s31 =	sshll.u32 s17, $0xC;
	v1 =	vshll.u32 v0, $0x5;
	v0 =	vshll.u32 v0, $0x4  }
0x38: {  	s18 =	sand.u32 $0x3FFFF000, s31;
	v1 =	vand.u32 $0x7FF00, v1;
	v0 =	vand.u32 $0x70, v0  }
0x39: {  	p1 =	por $0x1, $0x1;
	s19 =	simm.s32 $0x0;
	s18 =	sadd.s32 s18, s16;
	v0 =	vor.u32 v0, v1  }
.LBB2_4:
0x3a: {  	_ =	sdelay $0x1  }
0x3b: {  	s19 =	sshra.s32 s19, $0x2;
	p2 =	por p1, p1  }
.Ltmp3:
0x3c: {  	s19 =	sadd.s32 s19, s18;
	(pc) =	sbr.rel @p2 .LBB2_4-.Ltmp3, $4  }
0x3d: {  	[tilespmem:s19], [sflag:$0x1] =	stream.indirect_vreg.gather [hbm:s4], $0x80, v0, vm0, $0x38;
	[tilespmem:$0x18180] =	vst v63  }
0x3e: {  	s19 =	sadd.s32 $0x800, s19  }
0x3f: {  	[tilespmem:s19], [sflag:$0x1] =	stream.indirect_vreg.gather [hbm:s4], $0x80, v0, vm1, $0x38;
	[tilespmem:$0x18180] =	vst v63  }
0x40: {  	p1 =	por $0x0, $0x0;
	v0 =	vadd.s32 $0x80, v0;
	s19 =	simm.s32 $0x1000  }
0x41: {  	s17 =	sadd.s32 $0x1, s17  }
0x42: {  	p1 =	sne.s32 s17, $0xC  }
.Ltmp4:
0x43: {  	_ = 	snop;
	(pc) =	sbr.rel @p1 .LBB2_3-.Ltmp4, $1  }
0x44: {  	_ =	sdelay $0x3  }
0x45: {  	s15 =	sshll.u32 s13, $0x5  }
0x46: {  	s31 =	sshll.u32 s13, $0x4;
	s15 =	sand.u32 $0xFFFFFF00, s15  }
0x47: {  	_ =	swait.ge [sflag:s6], $0xC000;
	s13 =	sand.u32 $0x70, s31;
	s15 =	sadd.s32 s15, s9  }
0x48: {  	s16 =	sadd.s32 $0x800, s14;
	[sflag:s6] =	ssyncset.done $0x0;
	s13 =	sadd.s32 s13, s15  }
0x49: {  	[sflag:s6] =	ssyncadd.s32 $0xFFFF4000;
	s15 =	simm.s32 $0x100;
	s17 =	sadd.s32 $0x0, s13  }
.LBB2_7:
0x4a: {  	[hbm:s17] =	stream.linear.scatter [tilespmem:s14], [sflag:$0x3], $0x800, $0x38;
	[tilespmem:$0x18180] =	vst v63  }
0x4b: {  	s17 =	smov.u32 s15;
	s14 =	smov.u32 s16;
	p1 =	sne.s32 s15, $0x1700  }
.Ltmp5:
0x4c: {  	s15 =	sadd.s32 $0x100, s15;
	(pc) =	sbr.rel @p1 .LBB2_7-.Ltmp5, $2  }
0x4d: {  	_ =	sdelay $0x2  }
0x4e: {  	s16 =	sadd.s32 $0x800, s16;
	s17 =	sadd.s32 s17, s13  }
.Ltmp6:
0x4f: {  	_ = 	snop;
	(pc) =	sbr.rel .LBB2_8-.Ltmp6, $1  }
0x50: {  	_ =	sdelay $0x3  }
.LBB2_10:
0x51: {  	_ =	sfence.sel $0x180000  }
0x52: {  	s2 =	simm.s32 $0x2;
	[bflag:$0x0] =	sbarrier.arrive $0xFFFF  }
0x53: {  	s30 =	simm.s32 $0x3;
	[sflag:s2] =	ssyncpa.u1 $0x1  }
0x54: {  	s31 =	simm.s32 $0x1;
	[sflag:s30] =	ssyncpa.u1 $0x1  }
0x55: {  	[sflag:s31] =	ssyncpa.u1 $0x1  }
0x56: {  	p0 =	sne.s32 s0, $0x0;
	_ =	strace $0x9000004A  }
0x57: {  	s0 =	sadd.s32 @!p0 $0x100000, s1;
	[bflag:$0x2] =	sbarrier.arrive $0xFFFF  }
0x58: {  	[sflag:s0] =	ssyncadd.tile.s32 @!p0 $0x1;
	_ =	shalt  }
.Lfunc_end2:
_tile_overlayer_lowered:
.L_overlay_start_2:
0x59: {  	(tag) =	ssettag $0x2  }
0x5a: {  	s0 =	rddreg [dreg:$0x0];
	s2 =	stileid.u32  }
0x5b: {  	s1 =	rddreg [dreg:$0x1];
	p0 =	sne.s32 s2, $0x0  }
0x5c: {  	s3 =	rddreg [dreg:$0x2];
	[bflag:$0x3] =	sbarrier.arrive $0xFFFF;
	s2 =	simm.s32 @!p0 $0x1C01  }
0x5d: {  	[timem:s3], [sflag:s2] =	dma.local @!p0 [hbm:s0], s1  }
0x5e: {  	s0 =	simm.s32 @!p0 $0x1  }
0x5f: {  	_ =	swait.ge @!p0 [sflag:s0], s1  }
0x60: {  	s1 =	ssub.s32 @!p0 $0x0, s1;
	[sflag:s0] =	ssyncset.done @!p0 $0x0  }
0x61: {  	[sflag:s0] =	ssyncadd.s32 @!p0 s1  }
0x62: {  	[bflag:$0x3] =	sbarrier.arrive $0xFFFF  }
0x63: {  	_ =	shalt  }

// kernel: gather_offload_async_start
scs
__scs_entry_jumppad:
0x0: {  	(pc) =	sbr.rel $0x88, $3  }
0x1: {  	(tag) =	ssettag $0x0;
	lr =	simm.s32 $0x1  }
0x2: {  	[smem:$0x3F91] =	sst lr;
	_ =	strace $0xD0000000  }
0x3: {  	_ = 	snop  }
0x4: {  	_ = 	snop  }
0x5: {  	_ = 	snop  }
0x6: {  	_ = 	snop  }
0x7: {  	_ = 	snop  }
__scs_overlays_trampoline_lowered:
0x8: {  	[smem:$0x3FA0] =	sst s0  }
0x9: {  	[smem:$0x3FA1] =	sst s1  }
0xa: {  	[smem:$0x3FA2] =	sst s2  }
0xb: {  	[smem:$0x3FA3] =	sst s3  }
0xc: {  	[smem:$0x3FA4] =	sst s4  }
0xd: {  	[smem:$0x3FA5] =	sst s5  }
0xe: {  	[smem:$0x3FA6] =	sst s6  }
0xf: {  	[smem:$0x3FA7] =	sst s7  }
0x10: {  	[smem:$0x3FA8] =	sst s8  }
0x11: {  	[smem:$0x3FA9] =	sst s9;
	s0 =	simm.s32 @!p0 $0x0  }
0x12: {  	s1 =	sld [smem:$0x3F8F];
	s0 =	simm.s32 @p0 $0x1  }
0x13: {  	[smem:$0x3FAA] =	sst s0;
	s0 =	simm.s32 @!p1 $0x0  }
0x14: {  	s2 =	sld [smem:$0x3F8E];
	s0 =	simm.s32 @p1 $0x1  }
0x15: {  	[smem:$0x3FAB] =	sst s0;
	s0 =	simm.s32 @!p2 $0x0  }
0x16: {  	s3 =	sld [smem:$0x3FDB];
	s0 =	simm.s32 @p2 $0x1  }
0x17: {  	s4 =	simm.s32 $0x1BF5;
	[smem:$0x3FAD] =	sst s0  }
0x18: {  	s0 =	sld [smem:$0x3F90];
	_ =	swait.ge [sflag:s4], $0x0  }
0x19: {  	s7 =	sld [smem:$0x3F91]  }
0x1a: {  	s8 =	sadd.s32 $0xFFFFE003, lr  }
0x1b: {  	s9 =	sadd.s32 $0xFFFFFEF7, lr;
	s5 =	simm.s32 $0xFFFFFFFF;
	p2 =	slt.u32 s8, $0xFFFFF086  }
0x1c: {  	p1 =	slt.u32 s9, $0xF7A;
	s5 =	simm.s32 @!p2 $0x0  }
0x1d: {  	s5 =	simm.s32 @p1 $0x1;
	p0 =	seq.s32 s7, s2  }
0x1e: {  	s7 =	smul.u32 @!p0 $0xF7A, s2;
	p2 =	seq.s32 @!p0 s5, $0x0  }
0x1f: {  	s9 =	smul.u32 $0xF7A, s1;
	s8 =	simm.s32 @!p0 $0x1BF5;
	p2 =	por !p2, p0  }
0x20: {  	[sflag:s8] =	ssyncset.s32 @!p0 $0xFFFFF086;
	s6 =	sadd.s32 @!p0 s3, s7;
	s7 =	simm.s32 @!p0 $0x108  }
0x21: {  	s3 =	sadd.s32 s3, s9;
	s6 =	sadd.s32 @!p0 $0x88, s6;
	s7 =	simm.s32 @p2 $0x1082  }
0x22: {  	[simem:s7], [sflag:s8] =	dma.local @!p0 [hbm:s6], $0xF7A  }
0x23: {  	s9 =	sor.u32 $0xD0000000, s2;
	s6 =	simm.s32 $0x108;
	_ =	swait.ge @!p0 [sflag:s8], $0x0  }
0x24: {  	s3 =	sadd.s32 $0x88, s3;
	s6 =	simm.s32 @!p1 $0x1082;
	[sflag:s4] =	ssyncset.s32 $0xFFFFF086  }
0x25: {  	[simem:s6], [sflag:s4] =	dma.local [hbm:s3], $0xF7A  }
0x26: {  	[smem:$0x3F91] =	sst s1;
	(tag) =	ssettag s2;
	_ =	strace s9  }
0x27: {  	s1 =	sld [smem:$0x3FA1]  }
0x28: {  	s2 =	sld [smem:$0x3FA2]  }
0x29: {  	s4 =	sld [smem:$0x3FA4]  }
0x2a: {  	p0 =	seq.s32 s5, $0x0;
	s5 =	sld [smem:$0x3FA5]  }
0x2b: {  	s6 =	sld [smem:$0x3FA6]  }
0x2c: {  	s7 =	sld [smem:$0x3FA7]  }
0x2d: {  	s3 =	simm.s32 $0x108;
	s8 =	sld [smem:$0x3FA8]  }
0x2e: {  	s3 =	simm.s32 @!p0 $0x1082;
	s9 =	sld [smem:$0x3FA9]  }
0x2f: {  	lr =	sadd.s32 s0, s3;
	s0 =	sld [smem:$0x3FA0]  }
0x30: {  	s3 =	sld [smem:$0x3FA3]  }
0x31: {  	[smem:$0x3FAC] =	sst s10  }
0x32: {  	s10 =	sld [smem:$0x3FAA];
	_ =	sdelay $0x3  }
0x33: {  	p0 =	seq.s32 s10, $0x1;
	s10 =	sld [smem:$0x3FAC];
	_ =	sdelay $0x3  }
0x34: {  	[smem:$0x3FAC] =	sst s10  }
0x35: {  	s10 =	sld [smem:$0x3FAB];
	_ =	sdelay $0x3  }
0x36: {  	p1 =	seq.s32 s10, $0x1;
	s10 =	sld [smem:$0x3FAC];
	_ =	sdelay $0x3  }
0x37: {  	[smem:$0x3FAC] =	sst s10  }
0x38: {  	s10 =	sld [smem:$0x3FAD]  }
0x39: {  	_ = 	snop;
	(pc) =	sbr.ind lr, $3  }
0x3a: {  	_ = 	snop  }
0x3b: {  	_ = 	snop  }
0x3c: {  	p2 =	seq.s32 s10, $0x1;
	s10 =	sld [smem:$0x3FAC]  }
0x3d: {  	_ =	shalt  }
0x3e: {  	_ =	shalt  }
0x3f: {  	_ =	shalt  }
0x40: {  	_ =	shalt  }
0x41: {  	_ =	shalt  }
0x42: {  	_ =	shalt  }
0x43: {  	_ =	shalt  }
0x44: {  	_ =	shalt  }
0x45: {  	_ =	shalt  }
0x46: {  	_ =	shalt  }
0x47: {  	_ =	shalt  }
0x48: {  	_ =	shalt  }
0x49: {  	_ =	shalt  }
0x4a: {  	_ =	shalt  }
0x4b: {  	_ =	shalt  }
0x4c: {  	_ =	shalt  }
0x4d: {  	_ =	shalt  }
0x4e: {  	_ =	shalt  }
0x4f: {  	_ =	shalt  }
0x50: {  	_ =	shalt  }
0x51: {  	_ =	shalt  }
0x52: {  	_ =	shalt  }
0x53: {  	_ =	shalt  }
0x54: {  	_ =	shalt  }
0x55: {  	_ =	shalt  }
0x56: {  	_ =	shalt  }
0x57: {  	_ =	shalt  }
0x58: {  	_ =	shalt  }
0x59: {  	_ =	shalt  }
0x5a: {  	_ =	shalt  }
0x5b: {  	_ =	shalt  }
0x5c: {  	_ =	shalt  }
0x5d: {  	_ =	shalt  }
0x5e: {  	_ =	shalt  }
0x5f: {  	_ =	shalt  }
0x60: {  	_ =	shalt  }
0x61: {  	_ =	shalt  }
0x62: {  	_ =	shalt  }
0x63: {  	_ =	shalt  }
0x64: {  	_ =	shalt  }
0x65: {  	_ =	shalt  }
0x66: {  	_ =	shalt  }
0x67: {  	_ =	shalt  }
0x68: {  	_ =	shalt  }
0x69: {  	_ =	shalt  }
0x6a: {  	_ =	shalt  }
0x6b: {  	_ =	shalt  }
0x6c: {  	_ =	shalt  }
0x6d: {  	_ =	shalt  }
0x6e: {  	_ =	shalt  }
0x6f: {  	_ =	shalt  }
0x70: {  	_ =	shalt  }
0x71: {  	_ =	shalt  }
0x72: {  	_ =	shalt  }
0x73: {  	_ =	shalt  }
0x74: {  	_ =	shalt  }
0x75: {  	_ =	shalt  }
0x76: {  	_ =	shalt  }
0x77: {  	_ =	shalt  }
0x78: {  	_ =	shalt  }
0x79: {  	_ =	shalt  }
0x7a: {  	_ =	shalt  }
0x7b: {  	_ =	shalt  }
0x7c: {  	_ =	shalt  }
0x7d: {  	_ =	shalt  }
0x7e: {  	_ =	shalt  }
0x7f: {  	_ =	shalt  }
0x80: {  	_ =	shalt  }
0x81: {  	_ =	shalt  }
0x82: {  	_ =	shalt  }
0x83: {  	_ =	shalt  }
0x84: {  	_ =	shalt  }
0x85: {  	_ =	shalt  }
0x86: {  	_ =	shalt  }
0x87: {  	_ =	shalt  }
.Lfunc_end0:
.L_simem_size_0:
called_computation_lowered:
.L_overlay_start_0:
0x88: {  	s2 =	sld [smem:$0x3FD9]  }
0x89: {  	s3 =	sld [smem:$0x3FFE];
	_ =	sdelay $0x1  }
0x8a: {  	s1 =	srdreg.scid  }
0x8b: {  	s0 =	sand.u32 $0x1, s1  }
0x8c: {  	s14 =	sshll.u32 s0, $0xA;
	s2 =	sadd.s32 s3, s2  }
0x8d: {  	s2 =	sadd.s32 s2, s14  }
0x8e: {  	[smem:$0x3FB8] =	sst s2  }
0x8f: {  	_ = 	snop  }
0x90: {  	s2 =	sld [smem:$0x3FD0];
	_ =	sdelay $0x2  }
0x91: {  	s4 =	simm.s32 $0xB;
	s5 =	simm.s32 $0x10;
	s15 =	sld [smem:$0x3FC9]  }
0x92: {  	[smem:s5], [sflag:s4] =	dma.local [hbm:s2], $0x1  }
0x93: {  	_ =	swait.eq [sflag:s4], $0x1  }
0x94: {  	[sflag:s4] =	ssyncset.done $0x0  }
0x95: {  	[sflag:s4] =	ssyncadd.s32 $0xFFFFFFFF  }
0x96: {  	s16 =	sld [smem:$0x11];
	(tm) =	ssettm $0x1  }
0x97: {  	s17 =	sld [smem:$0x3FFB];
	_ =	sdelay $0x3  }
0x98: {  	_ =	strace s17  }
0x99: {  	s4 =	sld [smem:$0x3FFC];
	_ =	sdelay $0x3  }
0x9a: {  	_ =	strace s4  }
0x9b: {  	s4 =	sld [smem:$0x3FFD];
	_ =	sdelay $0x3  }
0x9c: {  	_ =	strace s4  }
0x9d: {  	_ =	strace $0x8FFFFFFF  }
0x9e: {  	s18 =	sld [smem:$0x3FDB];
	_ =	sdelay $0x1  }
0x9f: {  	s19 =	simm.s32 $_scs_section_size  }
0xa0: {  	s6 =	simm.s32 $_size__tile_overlayer_lowered;
	s7 =	simm.s32 $_tile_overlayer_lowered  }
0xa1: {  	s22 =	simm.s32 $0x1BFF;
	s21 =	sshll.u32 s7, $0x1;
	s4 =	sadd.s32 s19, s18  }
0xa2: {  	s8 =	simm.s32 $0x0;
	s20 =	sshll.u32 s6, $0x1;
	s6 =	sadd.s32 s21, s4  }
0xa3: {  	[timem:s8], [sflag:s22] =	dma.local [hbm:s6], s20  }
0xa4: {  	_ =	swait.ge [sflag:s22], s20  }
0xa5: {  	s5 =	ssub.s32 $0x0, s20;
	[sflag:s22] =	ssyncset.done $0x0  }
0xa6: {  	[sflag:s22] =	ssyncadd.s32 s5;
	_ =	sdelay $0x1  }
0xa7: {  	s23 =	simm.s32 $0x1B8B  }
0xa8: {  	_ =	swait.ge [sflag:s23], $0x1  }
0xa9: {  	[sflag:s23] =	ssyncset.done $0x0  }
0xaa: {  	s25 =	simm.s32 $0x1B8E;
	s24 =	sld [smem:$0x3FFE];
	[sflag:s23] =	ssyncadd.s32 $0xFFFFFFFF  }
0xab: {  	s26 =	simm.s32 $execute0_lowered;
	[smem:$0x3FD2] =	sst s25  }
0xac: {  	s6 =	sshll.u32 s26, $0x1;
	_ =	strace $0x80000046;
	[dreg:$0x1] =	wrdreg $0xFFFFFFFF  }
0xad: {  	s28 =	simm.s32 $_size_execute0_lowered;
	s4 =	sadd.s32 s4, s6;
	[dreg:$0x0] =	wrdreg $0x0  }
0xae: {  	s6 =	sshll.u32 s28, $0x1;
	[dreg:$0x2] =	wrdreg s4  }
0xaf: {  	[dreg:$0x3] =	wrdreg s6  }
0xb0: {  	[dreg:$0x4] =	wrdreg $0xC0  }
0xb1: {  	_ =	task [dreg:s8], $0x5FFFF  }
0xb2: {  	[dreg:$0x1] =	wrdreg $0xFFFFFFFF  }
0xb3: {  	[dreg:$0x0] =	wrdreg $0x60  }
0xb4: {  	[dreg:$0x2] =	wrdreg s15  }
0xb5: {  	[dreg:$0x3] =	wrdreg s16  }
0xb6: {  	[dreg:$0x4] =	wrdreg s24  }
0xb7: {  	[dreg:$0x5] =	wrdreg $0x9  }
0xb8: {  	_ =	task.clear_ibuf [dreg:s8], $0x6FFFF;
	_ =	strace $0x90000046  }
0xb9: {  	s29 =	simm.s32 $0x9;
	_ =	strace $0x80000048  }
0xba: {  	_ =	swait.ge [sflag:s29], $0x1  }
0xbb: {  	[sflag:s29] =	ssyncadd.s32 $0xFFFFFFFF  }
0xbc: {  	_ =	strace $0x90000048  }
0xbd: {  	_ =	sfence  }
0xbe: {  	s30 =	sld [smem:$0x0];
	_ =	sdelay $0x2  }
0xbf: {  	s31 =	sshll.u32 s1, $0xD;
	s1 =	sshrl.u32 s1, $0x2  }
0xc0: {  	s3 =	sand.u32 $0x4000, s31;
	s1 =	sadd.s32 s1, s30  }
0xc1: {  	s0 =	sor.u32 s3, s0;
	s1 =	sshll.u32 s1, $0x11  }
0xc2: {  	s0 =	sor.u32 s1, s0  }
0xc3: {  	s0 =	sadd.s32 $0x8F2B, s0  }
0xc4: {  	[sflag:s0] =	ssyncadd.remote.s32 $0x1  }
0xc5: {  	_ =	sfence.sel $0xFFFF  }
0xc6: {  	[dreg:$0x0] =	wrdreg $0xFFFFFFFF;
	(pc) =	sbr.abs _section_cstart, $3  }
0xc7: {  	[dreg:$0x1] =	wrdreg $0xFFFFFFFF  }
0xc8: {  	_ =	task.clear_ibuf [dreg:s8], $0x2FFFF;
	_ =	strace $0x9FFFFFFF  }
0xc9: {  	(tm) =	ssettm $0x7FFFFFFF  }
tec
execute0_lowered:
.L_overlay_start_1:
0x0: {  	(tag) =	ssettag $0x1  }
0x1: {  	s0 =	srdreg.scid  }
0x2: {  	s1 =	sshll.u32 s0, $0x4  }
0x3: {  	s0 =	stileid.u32;
	s1 =	sand.u32 $0x10, s1  }
0x4: {  	s4 =	rddreg [dreg:$0x1];
	s1 =	sor.u32 s0, s1  }
0x5: {  	s9 =	rddreg [dreg:$0x2];
	s2 =	smin.u32 s1, $0x4  }
0x6: {  	p0 =	slt.u32 s1, $0x4;
	s3 =	sadd.s32 s1, s2;
	s1 =	simm.s32 $0x80  }
0x7: {  	s6 =	simm.s32 $0x1;
	s3 =	sshll.u32 s3, $0x6;
	s1 =	simm.s32 @!p0 $0x40  }
0x8: {  	s7 =	simm.s32 $0x2;
	s10 =	simm.s32 $0x3;
	s1 =	sadd.s32 s1, s3  }
0x9: {  	s13 =	simm.s32 $0x0;
	s12 =	simm.s32 $0x0;
	s5 =	smin.u32 s1, $0x900  }
.Ltmp0:
0xa: {  	s2 =	rddreg [dreg:$0x0];
	s8 =	ssub.s32 s5, s3;
	(pc) =	sbr.rel .LBB2_1-.Ltmp0, $4  }
0xb: {  	s1 =	rddreg [dreg:$0x3];
	_ =	strace $0x80000047;
	p0 =	sgt.s32 s8, $0x0  }
0xc: {  	s9 =	sadd.s32 $0x800, s9;
	[sflag:s6] =	ssyncpa.u1 $0x0;
	s8 =	simm.s32 @!p0 $0x0  }
0xd: {  	s11 =	smov.u32 s3;
	[sflag:s7] =	ssyncpa.u1 $0x0;
	s8 =	sshrl.u32 s8, $0x6  }
0xe: {  	vm0 =	vmmov $0xff;
	vm1 =	vcmask $0x3F20;
	[sflag:s10] =	ssyncpa.u1 $0x0;
	p0 =	por $0x0, $0x0;
	s10 =	sadd.s32 $0x1, s8  }
.LBB2_8:
0xf: {  	[hbm:s17] =	stream.linear.scatter [tilespmem:s14], [sflag:$0x3], $0x800, $0x38;
	[tilespmem:$0x8080] =	vst v63  }
.LBB2_9:
0x10: {  	s13 =	sadd.s32 $0x40, s11  }
0x11: {  	s15 =	smov.u32 s3;
	p2 =	slt.s32 s13, s5  }
0x12: {  	s15 =	smov.u32 @p2 s13;
	p2 =	sne.s32 s12, s10  }
.Ltmp1:
0x13: {  	p1 =	slt.u32 s12, $0x2;
	(pc) =	sbr.rel @!p2 .LBB2_10-.Ltmp1, $4  }
0x14: {  	s14 =	simm.s32 @!p1 $0x3  }
0x15: {  	s16 =	sadd.s32 $0x1, s12;
	_ =	swait.ge @!p1 [sflag:s14], $0x4000  }
0x16: {  	p0 =	por !p0, !p0;
	s13 =	smov.u32 s11;
	[sflag:s14] =	ssyncset.done @!p1 $0x0  }
0x17: {  	s12 =	smov.u32 s16;
	s11 =	smov.u32 s15;
	[sflag:s14] =	ssyncadd.s32 @!p1 $0xFFFFC000  }
.LBB2_1:
0x18: {  	p1 =	sge.u32 s12, s8  }
0x19: {  	s14 =	sxor.u32 @!p1 $0xFFFFFFFF, s12  }
0x1a: {  	s31 =	sadd.s32 $0xFFFFFFFF, s12;
	s15 =	sshrl.u32 @!p1 s11, $0x3;
	s14 =	sshll.u32 @!p1 s14, $0x6  }
0x1b: {  	s16 =	sand.u32 @!p1 $0x7, s11;
	s15 =	sadd.s32 @!p1 s4, s15;
	s14 =	sand.u32 @!p1 $0x40, s14  }
0x1c: {  	[tilespmem:s14], [sflag:$0x2] =	stream.linear.gather @!p1 [hbm4b:s15+s16], $0x40, $0x38;
	[tilespmem:$0x8080] =	vst v63  }
0x1d: {  	p1 =	sge.u32 s31, s8  }
.Ltmp2:
0x1e: {  	_ = 	snop;
	(pc) =	sbr.rel @p1 .LBB2_9-.Ltmp2, $1  }
0x1f: {  	_ =	sdelay $0x3  }
0x20: {  	s14 =	simm.s32 $0x1;
	_ =	swait.ge [sflag:s7], $0x40;
	s15 =	sand.u32 $0x1, s12  }
0x21: {  	s17 =	simm.s32 $0x0;
	s14 =	simm.s32 @!p0 $0x0;
	[sflag:s7] =	ssyncset.done $0x0  }
0x22: {  	s16 =	sshll.u32 s15, $0xE;
	s15 =	sshll.u32 s15, $0x6;
	s14 =	sshll.u32 s14, $0xE  }
0x23: {  	[sflag:s7] =	ssyncadd.s32 $0xFFFFFFC0;
	s16 =	sor.u32 $0x80, s16;
	s14 =	sor.u32 $0x80, s14  }
.LBB2_3:
0x24: {  	s18 =	sshll.u32 s17, $0x4  }
0x25: {  	s18 =	sand.u32 $0x3FFFFFF0, s18  }
0x26: {  	s18 =	sadd.s32 s18, s15  }
0x27: {  	v0 =	vld.msk [tilespmem:s18+$0x0 ss:$0x1], $0xffff;
	_ =	sdelay $0x4  }
0x28: {  	vm2 =	vgt.s32 v0, $0x0  }
0x29: {  	v0 =	vnsel vm2, $0x0, v0  }
0x2a: {  	v0 =	vmin.u32 v0, $0x3FFF  }
0x2b: {  	s31 =	sshll.u32 s17, $0xC;
	v1 =	vshll.u32 v0, $0x5;
	v0 =	vshll.u32 v0, $0x4  }
0x2c: {  	s18 =	sand.u32 $0x3FFFF000, s31;
	v1 =	vand.u32 $0x7FF00, v1;
	v0 =	vand.u32 $0x70, v0  }
0x2d: {  	p1 =	por $0x1, $0x1;
	s19 =	simm.s32 $0x0;
	s18 =	sadd.s32 s18, s16;
	v0 =	vor.u32 v0, v1  }
.LBB2_4:
0x2e: {  	_ =	sdelay $0x1  }
0x2f: {  	s19 =	sshra.s32 s19, $0x2;
	p2 =	por p1, p1  }
.Ltmp3:
0x30: {  	s19 =	sadd.s32 s19, s18;
	(pc) =	sbr.rel @p2 .LBB2_4-.Ltmp3, $4  }
0x31: {  	[tilespmem:s19], [sflag:$0x1] =	stream.indirect_vreg.gather [hbm:s2], $0x80, v0, vm0, $0x38;
	[tilespmem:$0x8080] =	vst v63  }
0x32: {  	s19 =	sadd.s32 $0x800, s19  }
0x33: {  	[tilespmem:s19], [sflag:$0x1] =	stream.indirect_vreg.gather [hbm:s2], $0x80, v0, vm1, $0x38;
	[tilespmem:$0x8080] =	vst v63  }
0x34: {  	p1 =	por $0x0, $0x0;
	v0 =	vadd.s32 $0x80, v0;
	s19 =	simm.s32 $0x1000  }
0x35: {  	s17 =	sadd.s32 $0x1, s17  }
0x36: {  	p1 =	sne.s32 s17, $0x4  }
.Ltmp4:
0x37: {  	_ = 	snop;
	(pc) =	sbr.rel @p1 .LBB2_3-.Ltmp4, $1  }
0x38: {  	_ =	sdelay $0x3  }
0x39: {  	s15 =	sshll.u32 s13, $0x5  }
0x3a: {  	s31 =	sshll.u32 s13, $0x4;
	s15 =	sand.u32 $0xFFFFFF00, s15  }
0x3b: {  	_ =	swait.ge [sflag:s6], $0x4000;
	s13 =	sand.u32 $0x70, s31;
	s15 =	sadd.s32 s15, s9  }
0x3c: {  	s16 =	sadd.s32 $0x800, s14;
	[sflag:s6] =	ssyncset.done $0x0;
	s13 =	sadd.s32 s13, s15  }
0x3d: {  	[sflag:s6] =	ssyncadd.s32 $0xFFFFC000;
	s15 =	simm.s32 $0x100;
	s17 =	sadd.s32 $0x0, s13  }
.LBB2_7:
0x3e: {  	[hbm:s17] =	stream.linear.scatter [tilespmem:s14], [sflag:$0x3], $0x800, $0x38;
	[tilespmem:$0x8080] =	vst v63  }
0x3f: {  	s17 =	smov.u32 s15;
	s14 =	smov.u32 s16;
	p1 =	sne.s32 s15, $0x700  }
.Ltmp5:
0x40: {  	s15 =	sadd.s32 $0x100, s15;
	(pc) =	sbr.rel @p1 .LBB2_7-.Ltmp5, $2  }
0x41: {  	_ =	sdelay $0x2  }
0x42: {  	s16 =	sadd.s32 $0x800, s16;
	s17 =	sadd.s32 s17, s13  }
.Ltmp6:
0x43: {  	_ = 	snop;
	(pc) =	sbr.rel .LBB2_8-.Ltmp6, $1  }
0x44: {  	_ =	sdelay $0x3  }
.LBB2_10:
0x45: {  	_ =	sfence.sel $0x180000  }
0x46: {  	s2 =	simm.s32 $0x2;
	[bflag:$0x0] =	sbarrier.arrive $0xFFFF  }
0x47: {  	s30 =	simm.s32 $0x3;
	[sflag:s2] =	ssyncpa.u1 $0x1  }
0x48: {  	s31 =	simm.s32 $0x1;
	[sflag:s30] =	ssyncpa.u1 $0x1  }
0x49: {  	[sflag:s31] =	ssyncpa.u1 $0x1  }
0x4a: {  	p0 =	sne.s32 s0, $0x0;
	_ =	strace $0x90000047  }
0x4b: {  	s0 =	sadd.s32 @!p0 $0x100000, s1;
	[bflag:$0x2] =	sbarrier.arrive $0xFFFF  }
0x4c: {  	[sflag:s0] =	ssyncadd.tile.s32 @!p0 $0x1;
	_ =	shalt  }
.Lfunc_end2:
_tile_overlayer_lowered:
.L_overlay_start_2:
0x4d: {  	(tag) =	ssettag $0x2  }
0x4e: {  	s0 =	rddreg [dreg:$0x0];
	s2 =	stileid.u32  }
0x4f: {  	s1 =	rddreg [dreg:$0x1];
	p0 =	sne.s32 s2, $0x0  }
0x50: {  	s3 =	rddreg [dreg:$0x2];
	[bflag:$0x3] =	sbarrier.arrive $0xFFFF;
	s2 =	simm.s32 @!p0 $0x1C01  }
0x51: {  	[timem:s3], [sflag:s2] =	dma.local @!p0 [hbm:s0], s1  }
0x52: {  	s0 =	simm.s32 @!p0 $0x1  }
0x53: {  	_ =	swait.ge @!p0 [sflag:s0], s1  }
0x54: {  	s1 =	ssub.s32 @!p0 $0x0, s1;
	[sflag:s0] =	ssyncset.done @!p0 $0x0  }
0x55: {  	[sflag:s0] =	ssyncadd.s32 @!p0 s1  }
0x56: {  	[bflag:$0x3] =	sbarrier.arrive $0xFFFF  }
0x57: {  	_ =	shalt  }

</sc_bundles>
